<compile_context>
chip_gen: v7x
topology: tpu7x:2x2x1
jax: 0.10.2.dev20260603
libtpu: 0.0.44.dev20260713+nightly
codegen_flags: <defaults>
</compile_context>

<pallas_src>
import functools

import jax
import jax.numpy as jnp
from jax import lax
from jax.experimental import pallas as pl
from jax.experimental.pallas import tpu as pltpu
from jax.experimental.pallas import tpu_sc as plsc

N = 100000
NPAD = 102400
E = 3200000
DIN = 8
DH = 16
H = 64
NEMB = 4

NC = 2
NS = 16
NW = NC * NS

CH = 80
GB = 2000
RPI = GB // CH

EW = E // NW
ITG = EW // GB

GBS = 1600
RPS = GBS // CH
ET = E // NS
ITS = ET // GBS
NP = N // NS

_mesh = plsc.VectorSubcoreMesh(core_axis_name="c", subcore_axis_name="s")
_sc_params = pltpu.CompilerParams(use_tc_tiling_on_sc=False)


def _h_body(xp_ref, ohf_ref, p_ref, q_ref, h_ref):
    h_ref[...] = (
        jnp.dot(xp_ref[...], p_ref[...], preferred_element_type=jnp.float32)
        + jnp.dot(ohf_ref[...], q_ref[...], preferred_element_type=jnp.float32)
    )


_BH = 12500
_build_h = pl.pallas_call(
    _h_body,
    grid=(1,),
    in_specs=[
        pl.BlockSpec((_BH, H), lambda i: (0, 0)),
        pl.BlockSpec((_BH, 8 * NEMB), lambda i: (0, 0)),
        pl.BlockSpec((H, 128), lambda i: (0, 0)),
        pl.BlockSpec((8 * NEMB, 128), lambda i: (0, 0)),
    ],
    out_specs=pl.BlockSpec((_BH, 128), lambda i: (0, 0)),
    out_shape=jax.ShapeDtypeStruct((N // 8, 128), jnp.float32),
)


@functools.partial(
    pl.kernel,
    out_type=jax.ShapeDtypeStruct((E, DH), jnp.float32),
    mesh=_mesh,
    compiler_params=_sc_params,
    scratch_types=[
        pltpu.VMEM((GB,), jnp.int32),
        pltpu.VMEM((GB, DH), jnp.float32),
        pltpu.SemaphoreType.DMA,
    ],
)
def _sc_gather(h_hbm, src_hbm, xj_hbm, idx_v, rows_v, sem):
    wid = lax.axis_index("s") * NC + lax.axis_index("c")
    base = wid * EW

    def body(it, carry):
        e0 = pl.multiple_of(base + it * GB, 8)
        pltpu.sync_copy(src_hbm.at[pl.ds(e0, GB)], idx_v)

        def inner(j, carry2):
            o = pl.multiple_of(j * CH, 8)
            pltpu.async_copy(
                h_hbm.at[idx_v.at[pl.ds(o, CH)]],
                rows_v.at[pl.ds(o, CH)],
                sem,
            ).wait()
            return carry2

        lax.fori_loop(0, RPI, inner, 0)
        pltpu.sync_copy(rows_v, xj_hbm.at[pl.ds(e0, GB)])
        return carry

    lax.fori_loop(0, ITG, body, 0)


def _ln(m, g, b):
    mu = jnp.mean(m, axis=-1, keepdims=True)
    d = m - mu
    var = jnp.mean(d * d, axis=-1, keepdims=True)
    return d * lax.rsqrt(var + 1e-5) * g + b


_B8 = 800
_BE = _B8 * 8


def _mlp_body(xj2_ref, ea3_ref, whT_ref, weT_ref, b1_ref, g_ref, b_ref,
              w0T_ref, b0_ref, o_ref):
    xq = jnp.concatenate(
        [xj2_ref[:, DH * j:DH * (j + 1)] for j in range(8)], axis=0)
    m = (jnp.dot(xq, whT_ref[...], preferred_element_type=jnp.float32)
         + b1_ref[...])
    for t in range(4):
        ea_t = jnp.concatenate(
            [ea3_ref[t, :, j:j + 1] for j in range(8)], axis=0)
        m = m + ea_t * weT_ref[t:t + 1, :]
    m = jnp.maximum(m, 0.0)
    m = _ln(m, g_ref[...], b_ref[...])
    m = (jnp.dot(m, w0T_ref[...], preferred_element_type=jnp.float32)
         + b0_ref[...])
    m = jnp.maximum(m, 0.0)
    m = _ln(m, g_ref[...], b_ref[...])
    for c in range(4):
        o_ref[c] = jnp.concatenate(
            [m[_B8 * j:_B8 * (j + 1), c * DH:(c + 1) * DH] for j in range(8)],
            axis=-1)


_tc_mlp = pl.pallas_call(
    _mlp_body,
    grid=(E // _BE,),
    in_specs=[
        pl.BlockSpec((_B8, 128), lambda i: (i, 0)),
        pl.BlockSpec((4, _B8, 8), lambda i: (0, i, 0)),
        pl.BlockSpec((DH, H), lambda i: (0, 0)),
        pl.BlockSpec((4, H), lambda i: (0, 0)),
        pl.BlockSpec((1, H), lambda i: (0, 0)),
        pl.BlockSpec((1, H), lambda i: (0, 0)),
        pl.BlockSpec((1, H), lambda i: (0, 0)),
        pl.BlockSpec((H, H), lambda i: (0, 0)),
        pl.BlockSpec((1, H), lambda i: (0, 0)),
    ],
    out_specs=pl.BlockSpec((4, _B8, 128), lambda i: (0, i, 0)),
    out_shape=jax.ShapeDtypeStruct((4, E // 8, 128), jnp.float32),
)


@functools.partial(
    pl.kernel,
    out_type=jax.ShapeDtypeStruct((4, NPAD, DH), jnp.float32),
    mesh=_mesh,
    compiler_params=_sc_params,
    scratch_types=[
        pltpu.VMEM((RPS, CH), jnp.int32),
        pltpu.VMEM((GBS, DH), jnp.float32),
        pltpu.VMEM_SHARED((N, DH), jnp.float32),
    ],
)
def _sc_scatter(msg_hbm, dst2_hbm, z_hbm, agg_hbm, idx_v, upd_v, acc_sh):
    cid = lax.axis_index("c")
    sid = lax.axis_index("s")
    n0 = sid * NP
    ebase = sid * ET
    rbase = sid * (ET // CH)
    for cc in range(2):
        c = cid * 2 + cc
        pltpu.sync_copy(z_hbm.at[pl.ds(n0, NP)], acc_sh.at[pl.ds(n0, NP)])
        plsc.subcore_barrier()

        def body(it, carry):
            e0 = ebase + it * GBS
            r0 = rbase + it * RPS
            pltpu.sync_copy(dst2_hbm.at[pl.ds(r0, RPS)], idx_v)
            pltpu.sync_copy(msg_hbm.at[c, pl.ds(e0, GBS)], upd_v)

            def inner(j, carry2):
                o = pl.multiple_of(j * CH, 8)
                pltpu.sync_copy(
                    upd_v.at[pl.ds(o, CH)],
                    acc_sh.at[idx_v.at[j]],
                    add=True,
                )
                return carry2

            lax.fori_loop(0, RPS, inner, 0)
            return carry

        lax.fori_loop(0, ITS, body, 0)
        plsc.subcore_barrier()
        pltpu.sync_copy(acc_sh.at[pl.ds(n0, NP)], agg_hbm.at[c, pl.ds(n0, NP)])
        plsc.subcore_barrier()


_BA = 800
_BO = _BA * 8


def _out_body(a_ref, w_ref, b_ref, o_ref):
    outs = []
    for j in range(8):
        acc = b_ref[...]
        for c in range(4):
            acc = acc + jnp.dot(a_ref[c][:, DH * j:DH * (j + 1)],
                                w_ref[c * DH:(c + 1) * DH],
                                preferred_element_type=jnp.float32)
        outs.append(acc)
    o_ref[...] = jnp.concatenate(outs, axis=-1)


_tc_out = pl.pallas_call(
    _out_body,
    grid=(NPAD // _BO,),
    in_specs=[
        pl.BlockSpec((4, _BA, 128), lambda i: (0, i, 0)),
        pl.BlockSpec((H, H), lambda i: (0, 0)),
        pl.BlockSpec((1, H), lambda i: (0, 0)),
    ],
    out_specs=pl.BlockSpec((_BA, 8 * H), lambda i: (i, 0)),
    out_shape=jax.ShapeDtypeStruct((NPAD // 8, 8 * H), jnp.float32),
)


def kernel(x, edge_index, edge_attr, entity_type, emb_table, lin1_W, lin1_b,
           ln_g, ln_b, l0_W, l0_b, out_W, out_b):
    xp = x.reshape(N // 8, H)
    etp = entity_type.astype(jnp.int32).reshape(N // 8, 8)
    ohf = (etp[:, :, None] == jnp.arange(NEMB, dtype=jnp.int32)
           ).astype(jnp.float32).reshape(N // 8, 8 * NEMB)
    jj = jnp.arange(8)
    pmat = jnp.zeros((H, 128), jnp.float32)
    pmat = pmat.at[(8 * jj[:, None] + jnp.arange(8)[None, :]).reshape(-1),
                   (16 * jj[:, None] + jnp.arange(8)[None, :]).reshape(-1)
                   ].set(1.0)
    qmat = jnp.zeros((8 * NEMB, 128), jnp.float32)
    rows = (4 * jj[:, None, None] + jnp.arange(NEMB)[None, :, None]
            ) * jnp.ones((1, 1, DIN), jnp.int32)
    cols = (16 * jj[:, None, None] + 8
            + jnp.arange(DIN)[None, None, :]) * jnp.ones((1, NEMB, 1), jnp.int32)
    vals = jnp.broadcast_to(emb_table[None, :, :], (8, NEMB, DIN))
    qmat = qmat.at[rows.reshape(-1), cols.reshape(-1)].set(vals.reshape(-1))
    src = edge_index[0].astype(jnp.int32)
    dst2 = edge_index[1].astype(jnp.int32).reshape(E // CH, CH)
    whT = lin1_W[:, :DH].T
    weT = lin1_W[:, DH:].T
    b1 = lin1_b.reshape(1, H)
    g = ln_g.reshape(1, H)
    bb = ln_b.reshape(1, H)
    w0T = l0_W.T
    b0 = l0_b.reshape(1, H)
    woT = out_W.T
    bo = out_b.reshape(1, H)
    zeros = jnp.zeros((N, DH), jnp.float32)

    ea3 = edge_attr.T.reshape(4, E // 8, 8)

    h2 = _build_h(xp, ohf, pmat, qmat)
    xj = _sc_gather(h2.reshape(N, DH), src)
    m8 = _tc_mlp(xj.reshape(E // 8, 128), ea3, whT, weT, b1, g, bb,
                 w0T, b0)
    agg = _sc_scatter(m8.reshape(4, E, DH), dst2, zeros)
    out8 = _tc_out(agg.reshape(4, NPAD // 8, 128), woT, bo)
    return out8.reshape(NPAD, H)[:N]

# --- scband reference (transcript-rebuilt; emitter-appended) ---
"""Pipeline reference for scband-graph-neural-network-45784351375361 (READ-ONLY COPY).

The authoritative reference and input builder live on the scoring server;
editing this copy changes nothing except your own understanding.
"""

import jax, jax.numpy as jnp
import numpy as np

N_NODES = 100000
N_EDGES = 3200000
INPUT_DIM = 8
EMB_SIZE = 8
EDGE_DIM = 4
HIDDEN = 64
NUM_EMB = 4


def _layernorm(x, g, b, eps=1e-5):
    mu = jnp.mean(x, axis=-1, keepdims=True)
    var = jnp.var(x, axis=-1, keepdims=True)
    return (x - mu) / jnp.sqrt(var + eps) * g + b


def setup_inputs(seed: int = 0) -> dict:
    key = jax.random.key(seed)
    ks = jax.random.split(key, 12)
    msg_in = INPUT_DIM + EMB_SIZE + EDGE_DIM
    x = jax.random.normal(ks[0], (N_NODES, INPUT_DIM), dtype=jnp.float32)
    edge_index = jax.random.randint(ks[1], (2, N_EDGES), 0, N_NODES, dtype=jnp.int64 if jax.config.jax_enable_x64 else jnp.int32)
    edge_attr = jax.random.normal(ks[2], (N_EDGES, EDGE_DIM), dtype=jnp.float32)
    entity_type = jax.random.randint(ks[3], (N_NODES,), 0, NUM_EMB)
    emb_table = jax.random.normal(ks[4], (NUM_EMB, EMB_SIZE), dtype=jnp.float32) * 0.1
    lin1_W = jax.random.normal(ks[5], (HIDDEN, msg_in), dtype=jnp.float32) * (1.0 / np.sqrt(msg_in))
    lin1_b = jnp.zeros((HIDDEN,), dtype=jnp.float32)
    ln_g = jnp.ones((HIDDEN,), dtype=jnp.float32)
    ln_b = jnp.zeros((HIDDEN,), dtype=jnp.float32)
    l0_W = jax.random.normal(ks[6], (HIDDEN, HIDDEN), dtype=jnp.float32) * (1.0 / np.sqrt(HIDDEN))
    l0_b = jnp.zeros((HIDDEN,), dtype=jnp.float32)
    out_W = jax.random.normal(ks[7], (HIDDEN, HIDDEN), dtype=jnp.float32) * (1.0 / np.sqrt(HIDDEN))
    out_b = jnp.zeros((HIDDEN,), dtype=jnp.float32)
    return {"x": x, "edge_index": edge_index, "edge_attr": edge_attr, "entity_type": entity_type,
            "emb_table": emb_table, "lin1_W": lin1_W, "lin1_b": lin1_b, "ln_g": ln_g, "ln_b": ln_b,
            "l0_W": l0_W, "l0_b": l0_b, "out_W": out_W, "out_b": out_b}


def reference(x, edge_index, edge_attr, entity_type, emb_table, lin1_W, lin1_b, ln_g, ln_b, l0_W, l0_b, out_W, out_b):
    # EmbedConv: concat entity embedding to node features
    h = jnp.concatenate([x, emb_table[entity_type]], axis=-1)
    src = edge_index[0]
    dst = edge_index[1]
    # message: MLP over [x_j, edge_attr]
    x_j = jnp.take(h, src, axis=0)
    msg = jnp.concatenate([x_j, edge_attr], axis=-1)
    msg = jax.nn.relu(msg @ lin1_W.T + lin1_b)
    msg = _layernorm(msg, ln_g, ln_b)
    msg = jax.nn.relu(msg @ l0_W.T + l0_b)
    msg = _layernorm(msg, ln_g, ln_b)
    # aggr='add' scatter to destination nodes
    agg = jax.ops.segment_sum(msg, dst, num_segments=N_NODES)
    # use_attention=False -> straight to output layer
    out = agg @ out_W.T + out_b
    return out

if __name__ == "__main__":
    import jax
    _d = setup_inputs()
    print(jax.jit(kernel)(*tuple(_d.values())))

</pallas_src>

<mosaic_0001>
#map = affine_map<(d0, d1) -> (0, 0, 0)>
#map1 = affine_map<(d0, d1) -> (0, 0)>
module attributes {stable_mosaic.version = 14 : i64} {
  func.func @_sc_scatter(%arg0: i32, %arg1: i32, %arg2: memref<4x3200000x16xf32, #tpu.memory_space<hbm>>, %arg3: memref<40000x80xi32, #tpu.memory_space<hbm>>, %arg4: memref<100000x16xf32, #tpu.memory_space<hbm>>, %arg5: memref<4x102400x16xf32, #tpu.memory_space<hbm>>, %arg6: memref<20x80xi32, #tpu.memory_space<vmem>>, %arg7: memref<1600x16xf32, #tpu.memory_space<vmem>>, %arg8: memref<100000x16xf32, #tpu.memory_space<vmem_shared>>) attributes {dimension_semantics = [#tpu.dimension_semantics<core_parallel>, #tpu.dimension_semantics<subcore_parallel>], iteration_bounds = array<i64: 2, 16>, scalar_prefetch = 0 : i64, scratch_operands = 3 : i64, tpu.core_type = #tpu.core_type<sc_vector_subcore>, window_params = [{transform_indices = #map}, {transform_indices = #map1}, {transform_indices = #map1}, {transform_indices = #map}]} {
    %mul3A = arith.constant 6250 : i32
    %mul3A_0 = arith.muli %arg1, %mul3A : i32
    %mul3A_1 = arith.constant 200000 : i32
    %mul3A_2 = arith.muli %arg1, %mul3A_1 : i32
    %mul3A_3 = arith.constant 2500 : i32
    %mul3A_4 = arith.muli %arg1, %mul3A_3 : i32
    %mul3A_5 = arith.constant 2 : i32
    %mul3A_6 = arith.muli %arg0, %mul3A_5 : i32
    %add3A = arith.constant 0 : i32
    %add3A_7 = arith.addi %mul3A_6, %add3A : i32
    "tpu.region"() ({
      %run_scoped3A = tpu.sem_alloc : memref<!tpu.dma_semaphore, #tpu.memory_space<semaphore_mem>>
      %dma_start3A = arith.constant 0 : i32
      %dma_start3A_28 = tpu.memref_slice %arg8[%mul3A_0, %dma_start3A] : memref<100000x16xf32, #tpu.memory_space<vmem_shared>> -> memref<6250x16xf32, #tpu.memory_space<vmem_shared>>
      %dma_start3A_29 = arith.constant 0 : i32
      %dma_start3A_30 = tpu.memref_slice %arg4[%mul3A_0, %dma_start3A_29] : memref<100000x16xf32, #tpu.memory_space<hbm>> -> memref<6250x16xf32, #tpu.memory_space<hbm>>
      tpu.enqueue_dma source(%dma_start3A_30 : memref<6250x16xf32, #tpu.memory_space<hbm>>) target(%dma_start3A_28 : memref<6250x16xf32, #tpu.memory_space<vmem_shared>>) target_semaphore(%run_scoped3A : memref<!tpu.dma_semaphore, #tpu.memory_space<semaphore_mem>>)
      %dma_wait3A = arith.constant 0 : i32
      %dma_wait3A_31 = tpu.memref_slice %arg8[%mul3A_0, %dma_wait3A] : memref<100000x16xf32, #tpu.memory_space<vmem_shared>> -> memref<6250x16xf32, #tpu.memory_space<vmem_shared>>
      %dma_wait3A_32 = arith.constant 0 : i32
      %dma_wait3A_33 = tpu.memref_slice %arg4[%mul3A_0, %dma_wait3A_32] : memref<100000x16xf32, #tpu.memory_space<hbm>> -> memref<6250x16xf32, #tpu.memory_space<hbm>>
      tpu.wait_dma2 semaphore(%run_scoped3A : memref<!tpu.dma_semaphore, #tpu.memory_space<semaphore_mem>>) src(%dma_wait3A_33 : memref<6250x16xf32, #tpu.memory_space<hbm>>) dst(%dma_wait3A_31 : memref<6250x16xf32, #tpu.memory_space<vmem_shared>>)
      tpu.yield
    }) : () -> ()
    %barrier3A = arith.constant 0 : index
    tpu.barrier barrier_id(%barrier3A)
    %scan3A = arith.constant 0 : i32
    %scan3A_8 = arith.constant 0 : i32
    %scan3A_9 = arith.constant 125 : i32
    %scan3A_10 = arith.addi %scan3A_8, %scan3A_9 : i32
    %scan3A_11 = arith.constant 1 : i32
    scf.for %scan3A_28 = %scan3A_8 to %scan3A_10 step %scan3A_11  : i32 {
      %mul3A_29 = arith.constant 1600 : i32
      %mul3A_30 = arith.muli %scan3A_28, %mul3A_29 : i32
      %add3A_31 = arith.addi %mul3A_2, %mul3A_30 : i32
      %mul3A_32 = arith.constant 20 : i32
      %mul3A_33 = arith.muli %scan3A_28, %mul3A_32 : i32
      %add3A_34 = arith.addi %mul3A_4, %mul3A_33 : i32
      "tpu.region"() ({
        %run_scoped3A = tpu.sem_alloc : memref<!tpu.dma_semaphore, #tpu.memory_space<semaphore_mem>>
        %dma_start3A = arith.constant 0 : i32
        %dma_start3A_41 = tpu.memref_slice %arg3[%add3A_34, %dma_start3A] : memref<40000x80xi32, #tpu.memory_space<hbm>> -> memref<20x80xi32, #tpu.memory_space<hbm>>
        %dma_start3A_42 = arith.constant 0 : i32
        %dma_start3A_43 = tpu.memref_slice %arg3[%add3A_34, %dma_start3A_42] : memref<40000x80xi32, #tpu.memory_space<hbm>> -> memref<20x80xi32, #tpu.memory_space<hbm>>
        tpu.enqueue_dma source(%dma_start3A_43 : memref<20x80xi32, #tpu.memory_space<hbm>>) target(%arg6 : memref<20x80xi32, #tpu.memory_space<vmem>>) target_semaphore(%run_scoped3A : memref<!tpu.dma_semaphore, #tpu.memory_space<semaphore_mem>>)
        %dma_wait3A = arith.constant 0 : i32
        %dma_wait3A_44 = tpu.memref_slice %arg3[%add3A_34, %dma_wait3A] : memref<40000x80xi32, #tpu.memory_space<hbm>> -> memref<20x80xi32, #tpu.memory_space<hbm>>
        %dma_wait3A_45 = arith.constant 0 : i32
        %dma_wait3A_46 = tpu.memref_slice %arg3[%add3A_34, %dma_wait3A_45] : memref<40000x80xi32, #tpu.memory_space<hbm>> -> memref<20x80xi32, #tpu.memory_space<hbm>>
        tpu.wait_dma2 semaphore(%run_scoped3A : memref<!tpu.dma_semaphore, #tpu.memory_space<semaphore_mem>>) src(%dma_wait3A_46 : memref<20x80xi32, #tpu.memory_space<hbm>>) dst(%arg6 : memref<20x80xi32, #tpu.memory_space<vmem>>)
        tpu.yield
      }) : () -> ()
      "tpu.region"() ({
        %run_scoped3A = tpu.sem_alloc : memref<!tpu.dma_semaphore, #tpu.memory_space<semaphore_mem>>
        %dma_start3A = arith.constant 0 : i32
        %dma_start3A_41 = tpu.memref_slice %arg2[%add3A_7, %add3A_31, %dma_start3A] : memref<4x3200000x16xf32, #tpu.memory_space<hbm>> -> memref<1x1600x16xf32, #tpu.memory_space<hbm>>
        %dma_start3A_42 = tpu.memref_squeeze %dma_start3A_41 : memref<1x1600x16xf32, #tpu.memory_space<hbm>> -> memref<1600x16xf32, #tpu.memory_space<hbm>>
        %dma_start3A_43 = arith.constant 0 : i32
        %dma_start3A_44 = tpu.memref_slice %arg2[%add3A_7, %add3A_31, %dma_start3A_43] : memref<4x3200000x16xf32, #tpu.memory_space<hbm>> -> memref<1x1600x16xf32, #tpu.memory_space<hbm>>
        %dma_start3A_45 = tpu.memref_squeeze %dma_start3A_44 : memref<1x1600x16xf32, #tpu.memory_space<hbm>> -> memref<1600x16xf32, #tpu.memory_space<hbm>>
        tpu.enqueue_dma source(%dma_start3A_45 : memref<1600x16xf32, #tpu.memory_space<hbm>>) target(%arg7 : memref<1600x16xf32, #tpu.memory_space<vmem>>) target_semaphore(%run_scoped3A : memref<!tpu.dma_semaphore, #tpu.memory_space<semaphore_mem>>)
        %dma_wait3A = arith.constant 0 : i32
        %dma_wait3A_46 = tpu.memref_slice %arg2[%add3A_7, %add3A_31, %dma_wait3A] : memref<4x3200000x16xf32, #tpu.memory_space<hbm>> -> memref<1x1600x16xf32, #tpu.memory_space<hbm>>
        %dma_wait3A_47 = tpu.memref_squeeze %dma_wait3A_46 : memref<1x1600x16xf32, #tpu.memory_space<hbm>> -> memref<1600x16xf32, #tpu.memory_space<hbm>>
        %dma_wait3A_48 = arith.constant 0 : i32
        %dma_wait3A_49 = tpu.memref_slice %arg2[%add3A_7, %add3A_31, %dma_wait3A_48] : memref<4x3200000x16xf32, #tpu.memory_space<hbm>> -> memref<1x1600x16xf32, #tpu.memory_space<hbm>>
        %dma_wait3A_50 = tpu.memref_squeeze %dma_wait3A_49 : memref<1x1600x16xf32, #tpu.memory_space<hbm>> -> memref<1600x16xf32, #tpu.memory_space<hbm>>
        tpu.wait_dma2 semaphore(%run_scoped3A : memref<!tpu.dma_semaphore, #tpu.memory_space<semaphore_mem>>) src(%dma_wait3A_50 : memref<1600x16xf32, #tpu.memory_space<hbm>>) dst(%arg7 : memref<1600x16xf32, #tpu.memory_space<vmem>>)
        tpu.yield
      }) : () -> ()
      %scan3A_35 = arith.constant 0 : i32
      %scan3A_36 = arith.constant 0 : i32
      %scan3A_37 = arith.constant 20 : i32
      %scan3A_38 = arith.addi %scan3A_36, %scan3A_37 : i32
      %scan3A_39 = arith.constant 1 : i32
      scf.for %scan3A_41 = %scan3A_36 to %scan3A_38 step %scan3A_39  : i32 {
        %mul3A_42 = arith.constant 80 : i32
        %mul3A_43 = arith.muli %scan3A_41, %mul3A_42 : i32
        %multiple_of3A = tpu.assume_multiple %mul3A_43, 8 : i32
        "tpu.region"() ({
          %run_scoped3A = tpu.sem_alloc : memref<!tpu.dma_semaphore, #tpu.memory_space<semaphore_mem>>
          %dma_start3A = arith.constant 0 : i32
          %dma_start3A_44 = tpu.memref_slice %arg7[%multiple_of3A, %dma_start3A] : memref<1600x16xf32, #tpu.memory_space<vmem>> -> memref<80x16xf32, #tpu.memory_space<vmem>>
          %dma_start3A_45 = arith.constant 0 : i32
          %dma_start3A_46 = tpu.memref_slice %arg6[%scan3A_41, %dma_start3A_45] : memref<20x80xi32, #tpu.memory_space<vmem>> -> memref<1x80xi32, #tpu.memory_space<vmem>>
          %dma_start3A_47 = tpu.memref_squeeze %dma_start3A_46 : memref<1x80xi32, #tpu.memory_space<vmem>> -> memref<80xi32, #tpu.memory_space<vmem>>
          %dma_start3A_48 = arith.constant 0 : i32
          %dma_start3A_49 = arith.constant 0 : i32
          %dma_start3A_50 = tpu.memref_slice %arg8[%dma_start3A_48, %dma_start3A_49] : memref<100000x16xf32, #tpu.memory_space<vmem_shared>> -> memref<100000x16xf32, #tpu.memory_space<vmem_shared>>
          tpu.enqueue_indirect_dma source(%dma_start3A_44 : memref<80x16xf32, #tpu.memory_space<vmem>>) target(%dma_start3A_50 : memref<100000x16xf32, #tpu.memory_space<vmem_shared>>) offsets(%dma_start3A_47 : memref<80xi32, #tpu.memory_space<vmem>>) semaphore(%run_scoped3A : memref<!tpu.dma_semaphore, #tpu.memory_space<semaphore_mem>>) {add = true}
          %dma_wait3A = arith.constant 0 : i32
          %dma_wait3A_51 = tpu.memref_slice %arg7[%multiple_of3A, %dma_wait3A] : memref<1600x16xf32, #tpu.memory_space<vmem>> -> memref<80x16xf32, #tpu.memory_space<vmem>>
          %dma_wait3A_52 = arith.constant 0 : i32
          %dma_wait3A_53 = tpu.memref_slice %arg6[%scan3A_41, %dma_wait3A_52] : memref<20x80xi32, #tpu.memory_space<vmem>> -> memref<1x80xi32, #tpu.memory_space<vmem>>
          %dma_wait3A_54 = tpu.memref_squeeze %dma_wait3A_53 : memref<1x80xi32, #tpu.memory_space<vmem>> -> memref<80xi32, #tpu.memory_space<vmem>>
          %dma_wait3A_55 = arith.constant 0 : i32
          %dma_wait3A_56 = arith.constant 0 : i32
          %dma_wait3A_57 = tpu.memref_slice %arg8[%dma_wait3A_55, %dma_wait3A_56] : memref<100000x16xf32, #tpu.memory_space<vmem_shared>> -> memref<100000x16xf32, #tpu.memory_space<vmem_shared>>
          tpu.wait_indirect_dma semaphore(%run_scoped3A : memref<!tpu.dma_semaphore, #tpu.memory_space<semaphore_mem>>) src(%dma_wait3A_51 : memref<80x16xf32, #tpu.memory_space<vmem>>) dst(%dma_wait3A_57 : memref<100000x16xf32, #tpu.memory_space<vmem_shared>>)
          tpu.yield
        }) : () -> ()
      }
      %scan3A_40 = arith.constant 20 : i32
    }
    %scan3A_12 = arith.constant 125 : i32
    %barrier3A_13 = arith.constant 0 : index
    tpu.barrier barrier_id(%barrier3A_13)
    "tpu.region"() ({
      %run_scoped3A = tpu.sem_alloc : memref<!tpu.dma_semaphore, #tpu.memory_space<semaphore_mem>>
      %dma_start3A = arith.constant 0 : i32
      %dma_start3A_28 = tpu.memref_slice %arg5[%add3A_7, %mul3A_0, %dma_start3A] : memref<4x102400x16xf32, #tpu.memory_space<hbm>> -> memref<1x6250x16xf32, #tpu.memory_space<hbm>>
      %dma_start3A_29 = tpu.memref_squeeze %dma_start3A_28 : memref<1x6250x16xf32, #tpu.memory_space<hbm>> -> memref<6250x16xf32, #tpu.memory_space<hbm>>
      %dma_start3A_30 = arith.constant 0 : i32
      %dma_start3A_31 = tpu.memref_slice %arg8[%mul3A_0, %dma_start3A_30] : memref<100000x16xf32, #tpu.memory_space<vmem_shared>> -> memref<6250x16xf32, #tpu.memory_space<vmem_shared>>
      tpu.enqueue_dma source(%dma_start3A_31 : memref<6250x16xf32, #tpu.memory_space<vmem_shared>>) target(%dma_start3A_29 : memref<6250x16xf32, #tpu.memory_space<hbm>>) target_semaphore(%run_scoped3A : memref<!tpu.dma_semaphore, #tpu.memory_space<semaphore_mem>>)
      %dma_wait3A = arith.constant 0 : i32
      %dma_wait3A_32 = tpu.memref_slice %arg5[%add3A_7, %mul3A_0, %dma_wait3A] : memref<4x102400x16xf32, #tpu.memory_space<hbm>> -> memref<1x6250x16xf32, #tpu.memory_space<hbm>>
      %dma_wait3A_33 = tpu.memref_squeeze %dma_wait3A_32 : memref<1x6250x16xf32, #tpu.memory_space<hbm>> -> memref<6250x16xf32, #tpu.memory_space<hbm>>
      %dma_wait3A_34 = arith.constant 0 : i32
      %dma_wait3A_35 = tpu.memref_slice %arg8[%mul3A_0, %dma_wait3A_34] : memref<100000x16xf32, #tpu.memory_space<vmem_shared>> -> memref<6250x16xf32, #tpu.memory_space<vmem_shared>>
      tpu.wait_dma2 semaphore(%run_scoped3A : memref<!tpu.dma_semaphore, #tpu.memory_space<semaphore_mem>>) src(%dma_wait3A_35 : memref<6250x16xf32, #tpu.memory_space<vmem_shared>>) dst(%dma_wait3A_33 : memref<6250x16xf32, #tpu.memory_space<hbm>>)
      tpu.yield
    }) : () -> ()
    %barrier3A_14 = arith.constant 0 : index
    tpu.barrier barrier_id(%barrier3A_14)
    %mul3A_15 = arith.constant 2 : i32
    %mul3A_16 = arith.muli %arg0, %mul3A_15 : i32
    %add3A_17 = arith.constant 1 : i32
    %add3A_18 = arith.addi %mul3A_16, %add3A_17 : i32
    "tpu.region"() ({
      %run_scoped3A = tpu.sem_alloc : memref<!tpu.dma_semaphore, #tpu.memory_space<semaphore_mem>>
      %dma_start3A = arith.constant 0 : i32
      %dma_start3A_28 = tpu.memref_slice %arg8[%mul3A_0, %dma_start3A] : memref<100000x16xf32, #tpu.memory_space<vmem_shared>> -> memref<6250x16xf32, #tpu.memory_space<vmem_shared>>
      %dma_start3A_29 = arith.constant 0 : i32
      %dma_start3A_30 = tpu.memref_slice %arg4[%mul3A_0, %dma_start3A_29] : memref<100000x16xf32, #tpu.memory_space<hbm>> -> memref<6250x16xf32, #tpu.memory_space<hbm>>
      tpu.enqueue_dma source(%dma_start3A_30 : memref<6250x16xf32, #tpu.memory_space<hbm>>) target(%dma_start3A_28 : memref<6250x16xf32, #tpu.memory_space<vmem_shared>>) target_semaphore(%run_scoped3A : memref<!tpu.dma_semaphore, #tpu.memory_space<semaphore_mem>>)
      %dma_wait3A = arith.constant 0 : i32
      %dma_wait3A_31 = tpu.memref_slice %arg8[%mul3A_0, %dma_wait3A] : memref<100000x16xf32, #tpu.memory_space<vmem_shared>> -> memref<6250x16xf32, #tpu.memory_space<vmem_shared>>
      %dma_wait3A_32 = arith.constant 0 : i32
      %dma_wait3A_33 = tpu.memref_slice %arg4[%mul3A_0, %dma_wait3A_32] : memref<100000x16xf32, #tpu.memory_space<hbm>> -> memref<6250x16xf32, #tpu.memory_space<hbm>>
      tpu.wait_dma2 semaphore(%run_scoped3A : memref<!tpu.dma_semaphore, #tpu.memory_space<semaphore_mem>>) src(%dma_wait3A_33 : memref<6250x16xf32, #tpu.memory_space<hbm>>) dst(%dma_wait3A_31 : memref<6250x16xf32, #tpu.memory_space<vmem_shared>>)
      tpu.yield
    }) : () -> ()
    %barrier3A_19 = arith.constant 0 : index
    tpu.barrier barrier_id(%barrier3A_19)
    %scan3A_20 = arith.constant 0 : i32
    %scan3A_21 = arith.constant 0 : i32
    %scan3A_22 = arith.constant 125 : i32
    %scan3A_23 = arith.addi %scan3A_21, %scan3A_22 : i32
    %scan3A_24 = arith.constant 1 : i32
    scf.for %scan3A_28 = %scan3A_21 to %scan3A_23 step %scan3A_24  : i32 {
      %mul3A_29 = arith.constant 1600 : i32
      %mul3A_30 = arith.muli %scan3A_28, %mul3A_29 : i32
      %add3A_31 = arith.addi %mul3A_2, %mul3A_30 : i32
      %mul3A_32 = arith.constant 20 : i32
      %mul3A_33 = arith.muli %scan3A_28, %mul3A_32 : i32
      %add3A_34 = arith.addi %mul3A_4, %mul3A_33 : i32
      "tpu.region"() ({
        %run_scoped3A = tpu.sem_alloc : memref<!tpu.dma_semaphore, #tpu.memory_space<semaphore_mem>>
        %dma_start3A = arith.constant 0 : i32
        %dma_start3A_41 = tpu.memref_slice %arg3[%add3A_34, %dma_start3A] : memref<40000x80xi32, #tpu.memory_space<hbm>> -> memref<20x80xi32, #tpu.memory_space<hbm>>
        %dma_start3A_42 = arith.constant 0 : i32
        %dma_start3A_43 = tpu.memref_slice %arg3[%add3A_34, %dma_start3A_42] : memref<40000x80xi32, #tpu.memory_space<hbm>> -> memref<20x80xi32, #tpu.memory_space<hbm>>
        tpu.enqueue_dma source(%dma_start3A_43 : memref<20x80xi32, #tpu.memory_space<hbm>>) target(%arg6 : memref<20x80xi32, #tpu.memory_space<vmem>>) target_semaphore(%run_scoped3A : memref<!tpu.dma_semaphore, #tpu.memory_space<semaphore_mem>>)
        %dma_wait3A = arith.constant 0 : i32
        %dma_wait3A_44 = tpu.memref_slice %arg3[%add3A_34, %dma_wait3A] : memref<40000x80xi32, #tpu.memory_space<hbm>> -> memref<20x80xi32, #tpu.memory_space<hbm>>
        %dma_wait3A_45 = arith.constant 0 : i32
        %dma_wait3A_46 = tpu.memref_slice %arg3[%add3A_34, %dma_wait3A_45] : memref<40000x80xi32, #tpu.memory_space<hbm>> -> memref<20x80xi32, #tpu.memory_space<hbm>>
        tpu.wait_dma2 semaphore(%run_scoped3A : memref<!tpu.dma_semaphore, #tpu.memory_space<semaphore_mem>>) src(%dma_wait3A_46 : memref<20x80xi32, #tpu.memory_space<hbm>>) dst(%arg6 : memref<20x80xi32, #tpu.memory_space<vmem>>)
        tpu.yield
      }) : () -> ()
      "tpu.region"() ({
        %run_scoped3A = tpu.sem_alloc : memref<!tpu.dma_semaphore, #tpu.memory_space<semaphore_mem>>
        %dma_start3A = arith.constant 0 : i32
        %dma_start3A_41 = tpu.memref_slice %arg2[%add3A_18, %add3A_31, %dma_start3A] : memref<4x3200000x16xf32, #tpu.memory_space<hbm>> -> memref<1x1600x16xf32, #tpu.memory_space<hbm>>
        %dma_start3A_42 = tpu.memref_squeeze %dma_start3A_41 : memref<1x1600x16xf32, #tpu.memory_space<hbm>> -> memref<1600x16xf32, #tpu.memory_space<hbm>>
        %dma_start3A_43 = arith.constant 0 : i32
        %dma_start3A_44 = tpu.memref_slice %arg2[%add3A_18, %add3A_31, %dma_start3A_43] : memref<4x3200000x16xf32, #tpu.memory_space<hbm>> -> memref<1x1600x16xf32, #tpu.memory_space<hbm>>
        %dma_start3A_45 = tpu.memref_squeeze %dma_start3A_44 : memref<1x1600x16xf32, #tpu.memory_space<hbm>> -> memref<1600x16xf32, #tpu.memory_space<hbm>>
        tpu.enqueue_dma source(%dma_start3A_45 : memref<1600x16xf32, #tpu.memory_space<hbm>>) target(%arg7 : memref<1600x16xf32, #tpu.memory_space<vmem>>) target_semaphore(%run_scoped3A : memref<!tpu.dma_semaphore, #tpu.memory_space<semaphore_mem>>)
        %dma_wait3A = arith.constant 0 : i32
        %dma_wait3A_46 = tpu.memref_slice %arg2[%add3A_18, %add3A_31, %dma_wait3A] : memref<4x3200000x16xf32, #tpu.memory_space<hbm>> -> memref<1x1600x16xf32, #tpu.memory_space<hbm>>
        %dma_wait3A_47 = tpu.memref_squeeze %dma_wait3A_46 : memref<1x1600x16xf32, #tpu.memory_space<hbm>> -> memref<1600x16xf32, #tpu.memory_space<hbm>>
        %dma_wait3A_48 = arith.constant 0 : i32
        %dma_wait3A_49 = tpu.memref_slice %arg2[%add3A_18, %add3A_31, %dma_wait3A_48] : memref<4x3200000x16xf32, #tpu.memory_space<hbm>> -> memref<1x1600x16xf32, #tpu.memory_space<hbm>>
        %dma_wait3A_50 = tpu.memref_squeeze %dma_wait3A_49 : memref<1x1600x16xf32, #tpu.memory_space<hbm>> -> memref<1600x16xf32, #tpu.memory_space<hbm>>
        tpu.wait_dma2 semaphore(%run_scoped3A : memref<!tpu.dma_semaphore, #tpu.memory_space<semaphore_mem>>) src(%dma_wait3A_50 : memref<1600x16xf32, #tpu.memory_space<hbm>>) dst(%arg7 : memref<1600x16xf32, #tpu.memory_space<vmem>>)
        tpu.yield
      }) : () -> ()
      %scan3A_35 = arith.constant 0 : i32
      %scan3A_36 = arith.constant 0 : i32
      %scan3A_37 = arith.constant 20 : i32
      %scan3A_38 = arith.addi %scan3A_36, %scan3A_37 : i32
      %scan3A_39 = arith.constant 1 : i32
      scf.for %scan3A_41 = %scan3A_36 to %scan3A_38 step %scan3A_39  : i32 {
        %mul3A_42 = arith.constant 80 : i32
        %mul3A_43 = arith.muli %scan3A_41, %mul3A_42 : i32
        %multiple_of3A = tpu.assume_multiple %mul3A_43, 8 : i32
        "tpu.region"() ({
          %run_scoped3A = tpu.sem_alloc : memref<!tpu.dma_semaphore, #tpu.memory_space<semaphore_mem>>
          %dma_start3A = arith.constant 0 : i32
          %dma_start3A_44 = tpu.memref_slice %arg7[%multiple_of3A, %dma_start3A] : memref<1600x16xf32, #tpu.memory_space<vmem>> -> memref<80x16xf32, #tpu.memory_space<vmem>>
          %dma_start3A_45 = arith.constant 0 : i32
          %dma_start3A_46 = tpu.memref_slice %arg6[%scan3A_41, %dma_start3A_45] : memref<20x80xi32, #tpu.memory_space<vmem>> -> memref<1x80xi32, #tpu.memory_space<vmem>>
          %dma_start3A_47 = tpu.memref_squeeze %dma_start3A_46 : memref<1x80xi32, #tpu.memory_space<vmem>> -> memref<80xi32, #tpu.memory_space<vmem>>
          %dma_start3A_48 = arith.constant 0 : i32
          %dma_start3A_49 = arith.constant 0 : i32
          %dma_start3A_50 = tpu.memref_slice %arg8[%dma_start3A_48, %dma_start3A_49] : memref<100000x16xf32, #tpu.memory_space<vmem_shared>> -> memref<100000x16xf32, #tpu.memory_space<vmem_shared>>
          tpu.enqueue_indirect_dma source(%dma_start3A_44 : memref<80x16xf32, #tpu.memory_space<vmem>>) target(%dma_start3A_50 : memref<100000x16xf32, #tpu.memory_space<vmem_shared>>) offsets(%dma_start3A_47 : memref<80xi32, #tpu.memory_space<vmem>>) semaphore(%run_scoped3A : memref<!tpu.dma_semaphore, #tpu.memory_space<semaphore_mem>>) {add = true}
          %dma_wait3A = arith.constant 0 : i32
          %dma_wait3A_51 = tpu.memref_slice %arg7[%multiple_of3A, %dma_wait3A] : memref<1600x16xf32, #tpu.memory_space<vmem>> -> memref<80x16xf32, #tpu.memory_space<vmem>>
          %dma_wait3A_52 = arith.constant 0 : i32
          %dma_wait3A_53 = tpu.memref_slice %arg6[%scan3A_41, %dma_wait3A_52] : memref<20x80xi32, #tpu.memory_space<vmem>> -> memref<1x80xi32, #tpu.memory_space<vmem>>
          %dma_wait3A_54 = tpu.memref_squeeze %dma_wait3A_53 : memref<1x80xi32, #tpu.memory_space<vmem>> -> memref<80xi32, #tpu.memory_space<vmem>>
          %dma_wait3A_55 = arith.constant 0 : i32
          %dma_wait3A_56 = arith.constant 0 : i32
          %dma_wait3A_57 = tpu.memref_slice %arg8[%dma_wait3A_55, %dma_wait3A_56] : memref<100000x16xf32, #tpu.memory_space<vmem_shared>> -> memref<100000x16xf32, #tpu.memory_space<vmem_shared>>
          tpu.wait_indirect_dma semaphore(%run_scoped3A : memref<!tpu.dma_semaphore, #tpu.memory_space<semaphore_mem>>) src(%dma_wait3A_51 : memref<80x16xf32, #tpu.memory_space<vmem>>) dst(%dma_wait3A_57 : memref<100000x16xf32, #tpu.memory_space<vmem_shared>>)
          tpu.yield
        }) : () -> ()
      }
      %scan3A_40 = arith.constant 20 : i32
    }
    %scan3A_25 = arith.constant 125 : i32
    %barrier3A_26 = arith.constant 0 : index
    tpu.barrier barrier_id(%barrier3A_26)
    "tpu.region"() ({
      %run_scoped3A = tpu.sem_alloc : memref<!tpu.dma_semaphore, #tpu.memory_space<semaphore_mem>>
      %dma_start3A = arith.constant 0 : i32
      %dma_start3A_28 = tpu.memref_slice %arg5[%add3A_18, %mul3A_0, %dma_start3A] : memref<4x102400x16xf32, #tpu.memory_space<hbm>> -> memref<1x6250x16xf32, #tpu.memory_space<hbm>>
      %dma_start3A_29 = tpu.memref_squeeze %dma_start3A_28 : memref<1x6250x16xf32, #tpu.memory_space<hbm>> -> memref<6250x16xf32, #tpu.memory_space<hbm>>
      %dma_start3A_30 = arith.constant 0 : i32
      %dma_start3A_31 = tpu.memref_slice %arg8[%mul3A_0, %dma_start3A_30] : memref<100000x16xf32, #tpu.memory_space<vmem_shared>> -> memref<6250x16xf32, #tpu.memory_space<vmem_shared>>
      tpu.enqueue_dma source(%dma_start3A_31 : memref<6250x16xf32, #tpu.memory_space<vmem_shared>>) target(%dma_start3A_29 : memref<6250x16xf32, #tpu.memory_space<hbm>>) target_semaphore(%run_scoped3A : memref<!tpu.dma_semaphore, #tpu.memory_space<semaphore_mem>>)
      %dma_wait3A = arith.constant 0 : i32
      %dma_wait3A_32 = tpu.memref_slice %arg5[%add3A_18, %mul3A_0, %dma_wait3A] : memref<4x102400x16xf32, #tpu.memory_space<hbm>> -> memref<1x6250x16xf32, #tpu.memory_space<hbm>>
      %dma_wait3A_33 = tpu.memref_squeeze %dma_wait3A_32 : memref<1x6250x16xf32, #tpu.memory_space<hbm>> -> memref<6250x16xf32, #tpu.memory_space<hbm>>
      %dma_wait3A_34 = arith.constant 0 : i32
      %dma_wait3A_35 = tpu.memref_slice %arg8[%mul3A_0, %dma_wait3A_34] : memref<100000x16xf32, #tpu.memory_space<vmem_shared>> -> memref<6250x16xf32, #tpu.memory_space<vmem_shared>>
      tpu.wait_dma2 semaphore(%run_scoped3A : memref<!tpu.dma_semaphore, #tpu.memory_space<semaphore_mem>>) src(%dma_wait3A_35 : memref<6250x16xf32, #tpu.memory_space<vmem_shared>>) dst(%dma_wait3A_33 : memref<6250x16xf32, #tpu.memory_space<hbm>>)
      tpu.yield
    }) : () -> ()
    %barrier3A_27 = arith.constant 0 : index
    tpu.barrier barrier_id(%barrier3A_27)
    return
  }
}

#map = affine_map<(d0, d1) -> (0, 0)>
#map1 = affine_map<(d0, d1) -> (0)>
module attributes {stable_mosaic.version = 14 : i64} {
  func.func @_sc_gather(%arg0: i32, %arg1: i32, %arg2: memref<100000x16xf32, #tpu.memory_space<hbm>>, %arg3: memref<3200000xi32, #tpu.memory_space<hbm>>, %arg4: memref<3200000x16xf32, #tpu.memory_space<hbm>>, %arg5: memref<2000xi32, #tpu.memory_space<vmem>>, %arg6: memref<2000x16xf32, #tpu.memory_space<vmem>>, %arg7: memref<!tpu.dma_semaphore, #tpu.memory_space<semaphore_mem>>) attributes {dimension_semantics = [#tpu.dimension_semantics<core_parallel>, #tpu.dimension_semantics<subcore_parallel>], iteration_bounds = array<i64: 2, 16>, scalar_prefetch = 0 : i64, scratch_operands = 3 : i64, tpu.core_type = #tpu.core_type<sc_vector_subcore>, window_params = [{transform_indices = #map}, {transform_indices = #map1}, {transform_indices = #map}]} {
    %mul3A = arith.constant 2 : i32
    %mul3A_0 = arith.muli %arg1, %mul3A : i32
    %add3A = arith.addi %mul3A_0, %arg0 : i32
    %mul3A_1 = arith.constant 100000 : i32
    %mul3A_2 = arith.muli %add3A, %mul3A_1 : i32
    %scan3A = arith.constant 0 : i32
    %scan3A_3 = arith.constant 0 : i32
    %scan3A_4 = arith.constant 50 : i32
    %scan3A_5 = arith.addi %scan3A_3, %scan3A_4 : i32
    %scan3A_6 = arith.constant 1 : i32
    scf.for %scan3A_8 = %scan3A_3 to %scan3A_5 step %scan3A_6  : i32 {
      %mul3A_9 = arith.constant 2000 : i32
      %mul3A_10 = arith.muli %scan3A_8, %mul3A_9 : i32
      %add3A_11 = arith.addi %mul3A_2, %mul3A_10 : i32
      %multiple_of3A = tpu.assume_multiple %add3A_11, 8 : i32
      "tpu.region"() ({
        %run_scoped3A = tpu.sem_alloc : memref<!tpu.dma_semaphore, #tpu.memory_space<semaphore_mem>>
        %dma_start3A = tpu.memref_slice %arg3[%multiple_of3A] : memref<3200000xi32, #tpu.memory_space<hbm>> -> memref<2000xi32, #tpu.memory_space<hbm>>
        %dma_start3A_18 = tpu.memref_slice %arg3[%multiple_of3A] : memref<3200000xi32, #tpu.memory_space<hbm>> -> memref<2000xi32, #tpu.memory_space<hbm>>
        tpu.enqueue_dma source(%dma_start3A_18 : memref<2000xi32, #tpu.memory_space<hbm>>) target(%arg5 : memref<2000xi32, #tpu.memory_space<vmem>>) target_semaphore(%run_scoped3A : memref<!tpu.dma_semaphore, #tpu.memory_space<semaphore_mem>>)
        %dma_wait3A = tpu.memref_slice %arg3[%multiple_of3A] : memref<3200000xi32, #tpu.memory_space<hbm>> -> memref<2000xi32, #tpu.memory_space<hbm>>
        %dma_wait3A_19 = tpu.memref_slice %arg3[%multiple_of3A] : memref<3200000xi32, #tpu.memory_space<hbm>> -> memref<2000xi32, #tpu.memory_space<hbm>>
        tpu.wait_dma2 semaphore(%run_scoped3A : memref<!tpu.dma_semaphore, #tpu.memory_space<semaphore_mem>>) src(%dma_wait3A_19 : memref<2000xi32, #tpu.memory_space<hbm>>) dst(%arg5 : memref<2000xi32, #tpu.memory_space<vmem>>)
        tpu.yield
      }) : () -> ()
      %scan3A_12 = arith.constant 0 : i32
      %scan3A_13 = arith.constant 0 : i32
      %scan3A_14 = arith.constant 25 : i32
      %scan3A_15 = arith.addi %scan3A_13, %scan3A_14 : i32
      %scan3A_16 = arith.constant 1 : i32
      scf.for %scan3A_18 = %scan3A_13 to %scan3A_15 step %scan3A_16  : i32 {
        %mul3A_19 = arith.constant 80 : i32
        %mul3A_20 = arith.muli %scan3A_18, %mul3A_19 : i32
        %multiple_of3A_21 = tpu.assume_multiple %mul3A_20, 8 : i32
        %dma_start3A = arith.constant 0 : i32
        %dma_start3A_22 = tpu.memref_slice %arg6[%multiple_of3A_21, %dma_start3A] : memref<2000x16xf32, #tpu.memory_space<vmem>> -> memref<80x16xf32, #tpu.memory_space<vmem>>
        %dma_start3A_23 = tpu.memref_slice %arg5[%multiple_of3A_21] : memref<2000xi32, #tpu.memory_space<vmem>> -> memref<80xi32, #tpu.memory_space<vmem>>
        %dma_start3A_24 = arith.constant 0 : i32
        %dma_start3A_25 = arith.constant 0 : i32
        %dma_start3A_26 = tpu.memref_slice %arg2[%dma_start3A_24, %dma_start3A_25] : memref<100000x16xf32, #tpu.memory_space<hbm>> -> memref<100000x16xf32, #tpu.memory_space<hbm>>
        tpu.enqueue_indirect_dma source(%dma_start3A_26 : memref<100000x16xf32, #tpu.memory_space<hbm>>) target(%dma_start3A_22 : memref<80x16xf32, #tpu.memory_space<vmem>>) offsets(%dma_start3A_23 : memref<80xi32, #tpu.memory_space<vmem>>) semaphore(%arg7 : memref<!tpu.dma_semaphore, #tpu.memory_space<semaphore_mem>>)
        %dma_wait3A = arith.constant 0 : i32
        %dma_wait3A_27 = tpu.memref_slice %arg6[%multiple_of3A_21, %dma_wait3A] : memref<2000x16xf32, #tpu.memory_space<vmem>> -> memref<80x16xf32, #tpu.memory_space<vmem>>
        %dma_wait3A_28 = tpu.memref_slice %arg5[%multiple_of3A_21] : memref<2000xi32, #tpu.memory_space<vmem>> -> memref<80xi32, #tpu.memory_space<vmem>>
        %dma_wait3A_29 = arith.constant 0 : i32
        %dma_wait3A_30 = arith.constant 0 : i32
        %dma_wait3A_31 = tpu.memref_slice %arg2[%dma_wait3A_29, %dma_wait3A_30] : memref<100000x16xf32, #tpu.memory_space<hbm>> -> memref<100000x16xf32, #tpu.memory_space<hbm>>
        tpu.wait_indirect_dma semaphore(%arg7 : memref<!tpu.dma_semaphore, #tpu.memory_space<semaphore_mem>>) src(%dma_wait3A_31 : memref<100000x16xf32, #tpu.memory_space<hbm>>) dst(%dma_wait3A_27 : memref<80x16xf32, #tpu.memory_space<vmem>>)
      }
      %scan3A_17 = arith.constant 25 : i32
      "tpu.region"() ({
        %run_scoped3A = tpu.sem_alloc : memref<!tpu.dma_semaphore, #tpu.memory_space<semaphore_mem>>
        %dma_start3A = arith.constant 0 : i32
        %dma_start3A_18 = tpu.memref_slice %arg4[%multiple_of3A, %dma_start3A] : memref<3200000x16xf32, #tpu.memory_space<hbm>> -> memref<2000x16xf32, #tpu.memory_space<hbm>>
        %dma_start3A_19 = arith.constant 0 : i32
        %dma_start3A_20 = tpu.memref_slice %arg4[%multiple_of3A, %dma_start3A_19] : memref<3200000x16xf32, #tpu.memory_space<hbm>> -> memref<2000x16xf32, #tpu.memory_space<hbm>>
        tpu.enqueue_dma source(%arg6 : memref<2000x16xf32, #tpu.memory_space<vmem>>) target(%dma_start3A_20 : memref<2000x16xf32, #tpu.memory_space<hbm>>) target_semaphore(%run_scoped3A : memref<!tpu.dma_semaphore, #tpu.memory_space<semaphore_mem>>)
        %dma_wait3A = arith.constant 0 : i32
        %dma_wait3A_21 = tpu.memref_slice %arg4[%multiple_of3A, %dma_wait3A] : memref<3200000x16xf32, #tpu.memory_space<hbm>> -> memref<2000x16xf32, #tpu.memory_space<hbm>>
        %dma_wait3A_22 = arith.constant 0 : i32
        %dma_wait3A_23 = tpu.memref_slice %arg4[%multiple_of3A, %dma_wait3A_22] : memref<3200000x16xf32, #tpu.memory_space<hbm>> -> memref<2000x16xf32, #tpu.memory_space<hbm>>
        tpu.wait_dma2 semaphore(%run_scoped3A : memref<!tpu.dma_semaphore, #tpu.memory_space<semaphore_mem>>) src(%arg6 : memref<2000x16xf32, #tpu.memory_space<vmem>>) dst(%dma_wait3A_23 : memref<2000x16xf32, #tpu.memory_space<hbm>>)
        tpu.yield
      }) : () -> ()
    }
    %scan3A_7 = arith.constant 50 : i32
    return
  }
}

module attributes {stable_mosaic.version = 14 : i64} {
  func.func @_h_body(%arg0: i32, %arg1: memref<12500x64xf32, #tpu.memory_space<vmem>>, %arg2: memref<12500x32xf32, #tpu.memory_space<vmem>>, %arg3: memref<64x128xf32, #tpu.memory_space<vmem>>, %arg4: memref<32x128xf32, #tpu.memory_space<vmem>>, %arg5: memref<12500x128xf32, #tpu.memory_space<vmem>>) attributes {dimension_semantics = [#tpu.dimension_semantics<arbitrary>], iteration_bounds = array<i64: 1>, scalar_prefetch = 0 : i64, scratch_operands = 0 : i64, tpu.core_type = #tpu.core_type<tc>, window_params = [{pipeline_mode = #tpu.pipeline_mode<synchronous>, transform_indices = @transform_0, window_bounds = array<i64: 12500, 64>}, {pipeline_mode = #tpu.pipeline_mode<synchronous>, transform_indices = @transform_1, window_bounds = array<i64: 12500, 32>}, {pipeline_mode = #tpu.pipeline_mode<synchronous>, transform_indices = @transform_2, window_bounds = array<i64: 64, 128>}, {pipeline_mode = #tpu.pipeline_mode<synchronous>, transform_indices = @transform_3, window_bounds = array<i64: 32, 128>}, {pipeline_mode = #tpu.pipeline_mode<synchronous>, transform_indices = @transform_4, window_bounds = array<i64: 12500, 128>}]} {
    %get3A = arith.constant 0 : index
    %get3A_0 = arith.constant 0 : index
    %get3A_1 = vector.load %arg1[%get3A, %get3A_0] : memref<12500x64xf32, #tpu.memory_space<vmem>>, vector<12500x64xf32>
    %get3A_2 = arith.constant 0 : index
    %get3A_3 = arith.constant 0 : index
    %get3A_4 = vector.load %arg3[%get3A_2, %get3A_3] : memref<64x128xf32, #tpu.memory_space<vmem>>, vector<64x128xf32>
    %dot_general3A = arith.constant dense<0.000000e+00> : vector<12500x128xf32>
    %dot_general3A_5 = tpu.matmul %get3A_1, %get3A_4, %dot_general3A {dimension_numbers = #tpu.dot_dimension_numbers<[1], [0], [0], [1], [0, 0, 1, 1], [], []>, transpose_lhs_hint = false} : vector<12500x64xf32>, vector<64x128xf32>, vector<12500x128xf32> -> vector<12500x128xf32>
    %get3A_6 = arith.constant 0 : index
    %get3A_7 = arith.constant 0 : index
    %get3A_8 = vector.load %arg2[%get3A_6, %get3A_7] : memref<12500x32xf32, #tpu.memory_space<vmem>>, vector<12500x32xf32>
    %get3A_9 = arith.constant 0 : index
    %get3A_10 = arith.constant 0 : index
    %get3A_11 = vector.load %arg4[%get3A_9, %get3A_10] : memref<32x128xf32, #tpu.memory_space<vmem>>, vector<32x128xf32>
    %dot_general3A_12 = arith.constant dense<0.000000e+00> : vector<12500x128xf32>
    %dot_general3A_13 = tpu.matmul %get3A_8, %get3A_11, %dot_general3A_12 {dimension_numbers = #tpu.dot_dimension_numbers<[1], [0], [0], [1], [0, 0, 1, 1], [], []>, transpose_lhs_hint = false} : vector<12500x32xf32>, vector<32x128xf32>, vector<12500x128xf32> -> vector<12500x128xf32>
    %add3A = arith.addf %dot_general3A_5, %dot_general3A_13 : vector<12500x128xf32>
    %swap3A = arith.constant 0 : index
    %swap3A_14 = arith.constant 0 : index
    %swap3A_15 = vector.load %arg5[%swap3A, %swap3A_14] : memref<12500x128xf32, #tpu.memory_space<vmem>>, vector<12500x128xf32>
    tpu.vector_store %arg5[%swap3A, %swap3A_14], %add3A {strides = array<i32>} : memref<12500x128xf32, #tpu.memory_space<vmem>>, vector<12500x128xf32>,
    return
  }
  func.func @transform_0(%arg0: i32) -> (i32, i32) {
    %c0_i32 = arith.constant 0 : i32
    %c0_i32_0 = arith.constant 0 : i32
    %c0_i32_1 = arith.constant 0 : i32
    return %c0_i32, %c0_i32_0 : i32, i32
  }
  func.func @transform_1(%arg0: i32) -> (i32, i32) {
    %c0_i32 = arith.constant 0 : i32
    %c0_i32_0 = arith.constant 0 : i32
    %c0_i32_1 = arith.constant 0 : i32
    return %c0_i32, %c0_i32_0 : i32, i32
  }
  func.func @transform_2(%arg0: i32) -> (i32, i32) {
    %c0_i32 = arith.constant 0 : i32
    %c0_i32_0 = arith.constant 0 : i32
    %c0_i32_1 = arith.constant 0 : i32
    return %c0_i32, %c0_i32_0 : i32, i32
  }
  func.func @transform_3(%arg0: i32) -> (i32, i32) {
    %c0_i32 = arith.constant 0 : i32
    %c0_i32_0 = arith.constant 0 : i32
    %c0_i32_1 = arith.constant 0 : i32
    return %c0_i32, %c0_i32_0 : i32, i32
  }
  func.func @transform_4(%arg0: i32) -> (i32, i32) {
    %c0_i32 = arith.constant 0 : i32
    %c0_i32_0 = arith.constant 0 : i32
    %c0_i32_1 = arith.constant 0 : i32
    return %c0_i32, %c0_i32_0 : i32, i32
  }
}

module attributes {stable_mosaic.version = 14 : i64} {
  func.func @_mlp_body(%arg0: i32, %arg1: memref<800x128xf32, #tpu.memory_space<vmem>>, %arg2: memref<4x800x8xf32, #tpu.memory_space<vmem>>, %arg3: memref<16x64xf32, #tpu.memory_space<vmem>>, %arg4: memref<4x64xf32, #tpu.memory_space<vmem>>, %arg5: memref<1x64xf32, #tpu.memory_space<vmem>>, %arg6: memref<1x64xf32, #tpu.memory_space<vmem>>, %arg7: memref<1x64xf32, #tpu.memory_space<vmem>>, %arg8: memref<64x64xf32, #tpu.memory_space<vmem>>, %arg9: memref<1x64xf32, #tpu.memory_space<vmem>>, %arg10: memref<4x800x128xf32, #tpu.memory_space<vmem>>) attributes {dimension_semantics = [#tpu.dimension_semantics<arbitrary>], iteration_bounds = array<i64: 500>, scalar_prefetch = 0 : i64, scratch_operands = 0 : i64, tpu.core_type = #tpu.core_type<tc>, window_params = [{transform_indices = @transform_0, window_bounds = array<i64: 800, 128>}, {transform_indices = @transform_1, window_bounds = array<i64: 4, 800, 8>}, {pipeline_mode = #tpu.pipeline_mode<synchronous>, transform_indices = @transform_2, window_bounds = array<i64: 16, 64>}, {pipeline_mode = #tpu.pipeline_mode<synchronous>, transform_indices = @transform_3, window_bounds = array<i64: 4, 64>}, {pipeline_mode = #tpu.pipeline_mode<synchronous>, transform_indices = @transform_4, window_bounds = array<i64: 1, 64>}, {pipeline_mode = #tpu.pipeline_mode<synchronous>, transform_indices = @transform_5, window_bounds = array<i64: 1, 64>}, {pipeline_mode = #tpu.pipeline_mode<synchronous>, transform_indices = @transform_6, window_bounds = array<i64: 1, 64>}, {pipeline_mode = #tpu.pipeline_mode<synchronous>, transform_indices = @transform_7, window_bounds = array<i64: 64, 64>}, {pipeline_mode = #tpu.pipeline_mode<synchronous>, transform_indices = @transform_8, window_bounds = array<i64: 1, 64>}, {transform_indices = @transform_9, window_bounds = array<i64: 4, 800, 128>}]} {
    %get3A = arith.constant 0 : index
    %get3A_0 = arith.constant 0 : index
    %get3A_1 = vector.load %arg1[%get3A, %get3A_0] : memref<800x128xf32, #tpu.memory_space<vmem>>, vector<800x16xf32>
    %get3A_2 = arith.constant 0 : index
    %get3A_3 = arith.constant 16 : index
    %get3A_4 = vector.load %arg1[%get3A_2, %get3A_3] : memref<800x128xf32, #tpu.memory_space<vmem>>, vector<800x16xf32>
    %get3A_5 = arith.constant 0 : index
    %get3A_6 = arith.constant 32 : index
    %get3A_7 = vector.load %arg1[%get3A_5, %get3A_6] : memref<800x128xf32, #tpu.memory_space<vmem>>, vector<800x16xf32>
    %get3A_8 = arith.constant 0 : index
    %get3A_9 = arith.constant 48 : index
    %get3A_10 = vector.load %arg1[%get3A_8, %get3A_9] : memref<800x128xf32, #tpu.memory_space<vmem>>, vector<800x16xf32>
    %get3A_11 = arith.constant 0 : index
    %get3A_12 = arith.constant 64 : index
    %get3A_13 = vector.load %arg1[%get3A_11, %get3A_12] : memref<800x128xf32, #tpu.memory_space<vmem>>, vector<800x16xf32>
    %get3A_14 = arith.constant 0 : index
    %get3A_15 = arith.constant 80 : index
    %get3A_16 = vector.load %arg1[%get3A_14, %get3A_15] : memref<800x128xf32, #tpu.memory_space<vmem>>, vector<800x16xf32>
    %get3A_17 = arith.constant 0 : index
    %get3A_18 = arith.constant 96 : index
    %get3A_19 = vector.load %arg1[%get3A_17, %get3A_18] : memref<800x128xf32, #tpu.memory_space<vmem>>, vector<800x16xf32>
    %get3A_20 = arith.constant 0 : index
    %get3A_21 = arith.constant 112 : index
    %get3A_22 = vector.load %arg1[%get3A_20, %get3A_21] : memref<800x128xf32, #tpu.memory_space<vmem>>, vector<800x16xf32>
    %concatenate3A = tpu.concatenate %get3A_1, %get3A_4, %get3A_7, %get3A_10, %get3A_13, %get3A_16, %get3A_19, %get3A_22 in 0 : vector<800x16xf32>, vector<800x16xf32>, vector<800x16xf32>, vector<800x16xf32>, vector<800x16xf32>, vector<800x16xf32>, vector<800x16xf32>, vector<800x16xf32> -> vector<6400x16xf32>
    %get3A_23 = arith.constant 0 : index
    %get3A_24 = arith.constant 0 : index
    %get3A_25 = vector.load %arg3[%get3A_23, %get3A_24] : memref<16x64xf32, #tpu.memory_space<vmem>>, vector<16x64xf32>
    %dot_general3A = arith.constant dense<0.000000e+00> : vector<6400x64xf32>
    %dot_general3A_26 = tpu.matmul %concatenate3A, %get3A_25, %dot_general3A {dimension_numbers = #tpu.dot_dimension_numbers<[1], [0], [0], [1], [0, 0, 1, 1], [], []>, transpose_lhs_hint = false} : vector<6400x16xf32>, vector<16x64xf32>, vector<6400x64xf32> -> vector<6400x64xf32>
    %get3A_27 = arith.constant 0 : index
    %get3A_28 = arith.constant 0 : index
    %get3A_29 = vector.load %arg5[%get3A_27, %get3A_28] : memref<1x64xf32, #tpu.memory_space<vmem>>, vector<1x64xf32>
    %add3A = vector.broadcast %get3A_29 : vector<1x64xf32> to vector<6400x64xf32>
    %add3A_30 = arith.addf %dot_general3A_26, %add3A : vector<6400x64xf32>
    %get3A_31 = arith.constant 0 : index
    %get3A_32 = arith.constant 0 : index
    %get3A_33 = arith.constant 0 : index
    %get3A_34 = vector.load %arg2[%get3A_31, %get3A_32, %get3A_33] : memref<4x800x8xf32, #tpu.memory_space<vmem>>, vector<1x800x1xf32>
    %get3A_35 = vector.shape_cast %get3A_34 : vector<1x800x1xf32> to vector<800x1xf32>
    %get3A_36 = arith.constant 0 : index
    %get3A_37 = arith.constant 0 : index
    %get3A_38 = arith.constant 1 : index
    %get3A_39 = vector.load %arg2[%get3A_36, %get3A_37, %get3A_38] : memref<4x800x8xf32, #tpu.memory_space<vmem>>, vector<1x800x1xf32>
    %get3A_40 = vector.shape_cast %get3A_39 : vector<1x800x1xf32> to vector<800x1xf32>
    %get3A_41 = arith.constant 0 : index
    %get3A_42 = arith.constant 0 : index
    %get3A_43 = arith.constant 2 : index
    %get3A_44 = vector.load %arg2[%get3A_41, %get3A_42, %get3A_43] : memref<4x800x8xf32, #tpu.memory_space<vmem>>, vector<1x800x1xf32>
    %get3A_45 = vector.shape_cast %get3A_44 : vector<1x800x1xf32> to vector<800x1xf32>
    %get3A_46 = arith.constant 0 : index
    %get3A_47 = arith.constant 0 : index
    %get3A_48 = arith.constant 3 : index
    %get3A_49 = vector.load %arg2[%get3A_46, %get3A_47, %get3A_48] : memref<4x800x8xf32, #tpu.memory_space<vmem>>, vector<1x800x1xf32>
    %get3A_50 = vector.shape_cast %get3A_49 : vector<1x800x1xf32> to vector<800x1xf32>
    %get3A_51 = arith.constant 0 : index
    %get3A_52 = arith.constant 0 : index
    %get3A_53 = arith.constant 4 : index
    %get3A_54 = vector.load %arg2[%get3A_51, %get3A_52, %get3A_53] : memref<4x800x8xf32, #tpu.memory_space<vmem>>, vector<1x800x1xf32>
    %get3A_55 = vector.shape_cast %get3A_54 : vector<1x800x1xf32> to vector<800x1xf32>
    %get3A_56 = arith.constant 0 : index
    %get3A_57 = arith.constant 0 : index
    %get3A_58 = arith.constant 5 : index
    %get3A_59 = vector.load %arg2[%get3A_56, %get3A_57, %get3A_58] : memref<4x800x8xf32, #tpu.memory_space<vmem>>, vector<1x800x1xf32>
    %get3A_60 = vector.shape_cast %get3A_59 : vector<1x800x1xf32> to vector<800x1xf32>
    %get3A_61 = arith.constant 0 : index
    %get3A_62 = arith.constant 0 : index
    %get3A_63 = arith.constant 6 : index
    %get3A_64 = vector.load %arg2[%get3A_61, %get3A_62, %get3A_63] : memref<4x800x8xf32, #tpu.memory_space<vmem>>, vector<1x800x1xf32>
    %get3A_65 = vector.shape_cast %get3A_64 : vector<1x800x1xf32> to vector<800x1xf32>
    %get3A_66 = arith.constant 0 : index
    %get3A_67 = arith.constant 0 : index
    %get3A_68 = arith.constant 7 : index
    %get3A_69 = vector.load %arg2[%get3A_66, %get3A_67, %get3A_68] : memref<4x800x8xf32, #tpu.memory_space<vmem>>, vector<1x800x1xf32>
    %get3A_70 = vector.shape_cast %get3A_69 : vector<1x800x1xf32> to vector<800x1xf32>
    %concatenate3A_71 = tpu.concatenate %get3A_35, %get3A_40, %get3A_45, %get3A_50, %get3A_55, %get3A_60, %get3A_65, %get3A_70 in 0 : vector<800x1xf32>, vector<800x1xf32>, vector<800x1xf32>, vector<800x1xf32>, vector<800x1xf32>, vector<800x1xf32>, vector<800x1xf32>, vector<800x1xf32> -> vector<6400x1xf32>
    %get3A_72 = arith.constant 0 : index
    %get3A_73 = arith.constant 0 : index
    %get3A_74 = vector.load %arg4[%get3A_72, %get3A_73] : memref<4x64xf32, #tpu.memory_space<vmem>>, vector<1x64xf32>
    %mul3A = vector.broadcast %concatenate3A_71 : vector<6400x1xf32> to vector<6400x64xf32>
    %mul3A_75 = vector.broadcast %get3A_74 : vector<1x64xf32> to vector<6400x64xf32>
    %mul3A_76 = arith.mulf %mul3A, %mul3A_75 : vector<6400x64xf32>
    %add3A_77 = arith.addf %add3A_30, %mul3A_76 : vector<6400x64xf32>
    %get3A_78 = arith.constant 1 : index
    %get3A_79 = arith.constant 0 : index
    %get3A_80 = arith.constant 0 : index
    %get3A_81 = vector.load %arg2[%get3A_78, %get3A_79, %get3A_80] : memref<4x800x8xf32, #tpu.memory_space<vmem>>, vector<1x800x1xf32>
    %get3A_82 = vector.shape_cast %get3A_81 : vector<1x800x1xf32> to vector<800x1xf32>
    %get3A_83 = arith.constant 1 : index
    %get3A_84 = arith.constant 0 : index
    %get3A_85 = arith.constant 1 : index
    %get3A_86 = vector.load %arg2[%get3A_83, %get3A_84, %get3A_85] : memref<4x800x8xf32, #tpu.memory_space<vmem>>, vector<1x800x1xf32>
    %get3A_87 = vector.shape_cast %get3A_86 : vector<1x800x1xf32> to vector<800x1xf32>
    %get3A_88 = arith.constant 1 : index
    %get3A_89 = arith.constant 0 : index
    %get3A_90 = arith.constant 2 : index
    %get3A_91 = vector.load %arg2[%get3A_88, %get3A_89, %get3A_90] : memref<4x800x8xf32, #tpu.memory_space<vmem>>, vector<1x800x1xf32>
    %get3A_92 = vector.shape_cast %get3A_91 : vector<1x800x1xf32> to vector<800x1xf32>
    %get3A_93 = arith.constant 1 : index
    %get3A_94 = arith.constant 0 : index
    %get3A_95 = arith.constant 3 : index
    %get3A_96 = vector.load %arg2[%get3A_93, %get3A_94, %get3A_95] : memref<4x800x8xf32, #tpu.memory_space<vmem>>, vector<1x800x1xf32>
    %get3A_97 = vector.shape_cast %get3A_96 : vector<1x800x1xf32> to vector<800x1xf32>
    %get3A_98 = arith.constant 1 : index
    %get3A_99 = arith.constant 0 : index
    %get3A_100 = arith.constant 4 : index
    %get3A_101 = vector.load %arg2[%get3A_98, %get3A_99, %get3A_100] : memref<4x800x8xf32, #tpu.memory_space<vmem>>, vector<1x800x1xf32>
    %get3A_102 = vector.shape_cast %get3A_101 : vector<1x800x1xf32> to vector<800x1xf32>
    %get3A_103 = arith.constant 1 : index
    %get3A_104 = arith.constant 0 : index
    %get3A_105 = arith.constant 5 : index
    %get3A_106 = vector.load %arg2[%get3A_103, %get3A_104, %get3A_105] : memref<4x800x8xf32, #tpu.memory_space<vmem>>, vector<1x800x1xf32>
    %get3A_107 = vector.shape_cast %get3A_106 : vector<1x800x1xf32> to vector<800x1xf32>
    %get3A_108 = arith.constant 1 : index
    %get3A_109 = arith.constant 0 : index
    %get3A_110 = arith.constant 6 : index
    %get3A_111 = vector.load %arg2[%get3A_108, %get3A_109, %get3A_110] : memref<4x800x8xf32, #tpu.memory_space<vmem>>, vector<1x800x1xf32>
    %get3A_112 = vector.shape_cast %get3A_111 : vector<1x800x1xf32> to vector<800x1xf32>
    %get3A_113 = arith.constant 1 : index
    %get3A_114 = arith.constant 0 : index
    %get3A_115 = arith.constant 7 : index
    %get3A_116 = vector.load %arg2[%get3A_113, %get3A_114, %get3A_115] : memref<4x800x8xf32, #tpu.memory_space<vmem>>, vector<1x800x1xf32>
    %get3A_117 = vector.shape_cast %get3A_116 : vector<1x800x1xf32> to vector<800x1xf32>
    %concatenate3A_118 = tpu.concatenate %get3A_82, %get3A_87, %get3A_92, %get3A_97, %get3A_102, %get3A_107, %get3A_112, %get3A_117 in 0 : vector<800x1xf32>, vector<800x1xf32>, vector<800x1xf32>, vector<800x1xf32>, vector<800x1xf32>, vector<800x1xf32>, vector<800x1xf32>, vector<800x1xf32> -> vector<6400x1xf32>
    %get3A_119 = arith.constant 1 : index
    %get3A_120 = arith.constant 0 : index
    %get3A_121 = vector.load %arg4[%get3A_119, %get3A_120] : memref<4x64xf32, #tpu.memory_space<vmem>>, vector<1x64xf32>
    %mul3A_122 = vector.broadcast %concatenate3A_118 : vector<6400x1xf32> to vector<6400x64xf32>
    %mul3A_123 = vector.broadcast %get3A_121 : vector<1x64xf32> to vector<6400x64xf32>
    %mul3A_124 = arith.mulf %mul3A_122, %mul3A_123 : vector<6400x64xf32>
    %add3A_125 = arith.addf %add3A_77, %mul3A_124 : vector<6400x64xf32>
    %get3A_126 = arith.constant 2 : index
    %get3A_127 = arith.constant 0 : index
    %get3A_128 = arith.constant 0 : index
    %get3A_129 = vector.load %arg2[%get3A_126, %get3A_127, %get3A_128] : memref<4x800x8xf32, #tpu.memory_space<vmem>>, vector<1x800x1xf32>
    %get3A_130 = vector.shape_cast %get3A_129 : vector<1x800x1xf32> to vector<800x1xf32>
    %get3A_131 = arith.constant 2 : index
    %get3A_132 = arith.constant 0 : index
    %get3A_133 = arith.constant 1 : index
    %get3A_134 = vector.load %arg2[%get3A_131, %get3A_132, %get3A_133] : memref<4x800x8xf32, #tpu.memory_space<vmem>>, vector<1x800x1xf32>
    %get3A_135 = vector.shape_cast %get3A_134 : vector<1x800x1xf32> to vector<800x1xf32>
    %get3A_136 = arith.constant 2 : index
    %get3A_137 = arith.constant 0 : index
    %get3A_138 = arith.constant 2 : index
    %get3A_139 = vector.load %arg2[%get3A_136, %get3A_137, %get3A_138] : memref<4x800x8xf32, #tpu.memory_space<vmem>>, vector<1x800x1xf32>
    %get3A_140 = vector.shape_cast %get3A_139 : vector<1x800x1xf32> to vector<800x1xf32>
    %get3A_141 = arith.constant 2 : index
    %get3A_142 = arith.constant 0 : index
    %get3A_143 = arith.constant 3 : index
    %get3A_144 = vector.load %arg2[%get3A_141, %get3A_142, %get3A_143] : memref<4x800x8xf32, #tpu.memory_space<vmem>>, vector<1x800x1xf32>
    %get3A_145 = vector.shape_cast %get3A_144 : vector<1x800x1xf32> to vector<800x1xf32>
    %get3A_146 = arith.constant 2 : index
    %get3A_147 = arith.constant 0 : index
    %get3A_148 = arith.constant 4 : index
    %get3A_149 = vector.load %arg2[%get3A_146, %get3A_147, %get3A_148] : memref<4x800x8xf32, #tpu.memory_space<vmem>>, vector<1x800x1xf32>
    %get3A_150 = vector.shape_cast %get3A_149 : vector<1x800x1xf32> to vector<800x1xf32>
    %get3A_151 = arith.constant 2 : index
    %get3A_152 = arith.constant 0 : index
    %get3A_153 = arith.constant 5 : index
    %get3A_154 = vector.load %arg2[%get3A_151, %get3A_152, %get3A_153] : memref<4x800x8xf32, #tpu.memory_space<vmem>>, vector<1x800x1xf32>
    %get3A_155 = vector.shape_cast %get3A_154 : vector<1x800x1xf32> to vector<800x1xf32>
    %get3A_156 = arith.constant 2 : index
    %get3A_157 = arith.constant 0 : index
    %get3A_158 = arith.constant 6 : index
    %get3A_159 = vector.load %arg2[%get3A_156, %get3A_157, %get3A_158] : memref<4x800x8xf32, #tpu.memory_space<vmem>>, vector<1x800x1xf32>
    %get3A_160 = vector.shape_cast %get3A_159 : vector<1x800x1xf32> to vector<800x1xf32>
    %get3A_161 = arith.constant 2 : index
    %get3A_162 = arith.constant 0 : index
    %get3A_163 = arith.constant 7 : index
    %get3A_164 = vector.load %arg2[%get3A_161, %get3A_162, %get3A_163] : memref<4x800x8xf32, #tpu.memory_space<vmem>>, vector<1x800x1xf32>
    %get3A_165 = vector.shape_cast %get3A_164 : vector<1x800x1xf32> to vector<800x1xf32>
    %concatenate3A_166 = tpu.concatenate %get3A_130, %get3A_135, %get3A_140, %get3A_145, %get3A_150, %get3A_155, %get3A_160, %get3A_165 in 0 : vector<800x1xf32>, vector<800x1xf32>, vector<800x1xf32>, vector<800x1xf32>, vector<800x1xf32>, vector<800x1xf32>, vector<800x1xf32>, vector<800x1xf32> -> vector<6400x1xf32>
    %get3A_167 = arith.constant 2 : index
    %get3A_168 = arith.constant 0 : index
    %get3A_169 = vector.load %arg4[%get3A_167, %get3A_168] : memref<4x64xf32, #tpu.memory_space<vmem>>, vector<1x64xf32>
    %mul3A_170 = vector.broadcast %concatenate3A_166 : vector<6400x1xf32> to vector<6400x64xf32>
    %mul3A_171 = vector.broadcast %get3A_169 : vector<1x64xf32> to vector<6400x64xf32>
    %mul3A_172 = arith.mulf %mul3A_170, %mul3A_171 : vector<6400x64xf32>
    %add3A_173 = arith.addf %add3A_125, %mul3A_172 : vector<6400x64xf32>
    %get3A_174 = arith.constant 3 : index
    %get3A_175 = arith.constant 0 : index
    %get3A_176 = arith.constant 0 : index
    %get3A_177 = vector.load %arg2[%get3A_174, %get3A_175, %get3A_176] : memref<4x800x8xf32, #tpu.memory_space<vmem>>, vector<1x800x1xf32>
    %get3A_178 = vector.shape_cast %get3A_177 : vector<1x800x1xf32> to vector<800x1xf32>
    %get3A_179 = arith.constant 3 : index
    %get3A_180 = arith.constant 0 : index
    %get3A_181 = arith.constant 1 : index
    %get3A_182 = vector.load %arg2[%get3A_179, %get3A_180, %get3A_181] : memref<4x800x8xf32, #tpu.memory_space<vmem>>, vector<1x800x1xf32>
    %get3A_183 = vector.shape_cast %get3A_182 : vector<1x800x1xf32> to vector<800x1xf32>
    %get3A_184 = arith.constant 3 : index
    %get3A_185 = arith.constant 0 : index
    %get3A_186 = arith.constant 2 : index
    %get3A_187 = vector.load %arg2[%get3A_184, %get3A_185, %get3A_186] : memref<4x800x8xf32, #tpu.memory_space<vmem>>, vector<1x800x1xf32>
    %get3A_188 = vector.shape_cast %get3A_187 : vector<1x800x1xf32> to vector<800x1xf32>
    %get3A_189 = arith.constant 3 : index
    %get3A_190 = arith.constant 0 : index
    %get3A_191 = arith.constant 3 : index
    %get3A_192 = vector.load %arg2[%get3A_189, %get3A_190, %get3A_191] : memref<4x800x8xf32, #tpu.memory_space<vmem>>, vector<1x800x1xf32>
    %get3A_193 = vector.shape_cast %get3A_192 : vector<1x800x1xf32> to vector<800x1xf32>
    %get3A_194 = arith.constant 3 : index
    %get3A_195 = arith.constant 0 : index
    %get3A_196 = arith.constant 4 : index
    %get3A_197 = vector.load %arg2[%get3A_194, %get3A_195, %get3A_196] : memref<4x800x8xf32, #tpu.memory_space<vmem>>, vector<1x800x1xf32>
    %get3A_198 = vector.shape_cast %get3A_197 : vector<1x800x1xf32> to vector<800x1xf32>
    %get3A_199 = arith.constant 3 : index
    %get3A_200 = arith.constant 0 : index
    %get3A_201 = arith.constant 5 : index
    %get3A_202 = vector.load %arg2[%get3A_199, %get3A_200, %get3A_201] : memref<4x800x8xf32, #tpu.memory_space<vmem>>, vector<1x800x1xf32>
    %get3A_203 = vector.shape_cast %get3A_202 : vector<1x800x1xf32> to vector<800x1xf32>
    %get3A_204 = arith.constant 3 : index
    %get3A_205 = arith.constant 0 : index
    %get3A_206 = arith.constant 6 : index
    %get3A_207 = vector.load %arg2[%get3A_204, %get3A_205, %get3A_206] : memref<4x800x8xf32, #tpu.memory_space<vmem>>, vector<1x800x1xf32>
    %get3A_208 = vector.shape_cast %get3A_207 : vector<1x800x1xf32> to vector<800x1xf32>
    %get3A_209 = arith.constant 3 : index
    %get3A_210 = arith.constant 0 : index
    %get3A_211 = arith.constant 7 : index
    %get3A_212 = vector.load %arg2[%get3A_209, %get3A_210, %get3A_211] : memref<4x800x8xf32, #tpu.memory_space<vmem>>, vector<1x800x1xf32>
    %get3A_213 = vector.shape_cast %get3A_212 : vector<1x800x1xf32> to vector<800x1xf32>
    %concatenate3A_214 = tpu.concatenate %get3A_178, %get3A_183, %get3A_188, %get3A_193, %get3A_198, %get3A_203, %get3A_208, %get3A_213 in 0 : vector<800x1xf32>, vector<800x1xf32>, vector<800x1xf32>, vector<800x1xf32>, vector<800x1xf32>, vector<800x1xf32>, vector<800x1xf32>, vector<800x1xf32> -> vector<6400x1xf32>
    %get3A_215 = arith.constant 3 : index
    %get3A_216 = arith.constant 0 : index
    %get3A_217 = vector.load %arg4[%get3A_215, %get3A_216] : memref<4x64xf32, #tpu.memory_space<vmem>>, vector<1x64xf32>
    %mul3A_218 = vector.broadcast %concatenate3A_214 : vector<6400x1xf32> to vector<6400x64xf32>
    %mul3A_219 = vector.broadcast %get3A_217 : vector<1x64xf32> to vector<6400x64xf32>
    %mul3A_220 = arith.mulf %mul3A_218, %mul3A_219 : vector<6400x64xf32>
    %add3A_221 = arith.addf %add3A_173, %mul3A_220 : vector<6400x64xf32>
    %max3A = arith.constant 0.000000e+00 : f32
    %max3A_222 = vector.broadcast %max3A : f32 to vector<6400x64xf32>
    %max3A_223 = arith.maximumf %add3A_221, %max3A_222 : vector<6400x64xf32>
    %get3A_224 = arith.constant 0 : index
    %get3A_225 = arith.constant 0 : index
    %get3A_226 = vector.load %arg6[%get3A_224, %get3A_225] : memref<1x64xf32, #tpu.memory_space<vmem>>, vector<1x64xf32>
    %get3A_227 = arith.constant 0 : index
    %get3A_228 = arith.constant 0 : index
    %get3A_229 = vector.load %arg7[%get3A_227, %get3A_228] : memref<1x64xf32, #tpu.memory_space<vmem>>, vector<1x64xf32>
    %reduce_sum3A = arith.constant dense<0.000000e+00> : vector<6400xf32>
    %reduce_sum3A_230 = vector.multi_reduction <add>, %max3A_223, %reduce_sum3A [1] : vector<6400x64xf32> to vector<6400xf32>
    %broadcast_in_dim3A = vector.shape_cast %reduce_sum3A_230 : vector<6400xf32> to vector<6400x1xf32>
    %div3A = arith.constant 6.400000e+01 : f32
    %div3A_231 = vector.broadcast %div3A : f32 to vector<6400x1xf32>
    %div3A_232 = arith.divf %broadcast_in_dim3A, %div3A_231 : vector<6400x1xf32>
    %sub3A = vector.broadcast %div3A_232 : vector<6400x1xf32> to vector<6400x64xf32>
    %sub3A_233 = arith.subf %max3A_223, %sub3A : vector<6400x64xf32>
    %mul3A_234 = arith.mulf %sub3A_233, %sub3A_233 : vector<6400x64xf32>
    %reduce_sum3A_235 = arith.constant dense<0.000000e+00> : vector<6400xf32>
    %reduce_sum3A_236 = vector.multi_reduction <add>, %mul3A_234, %reduce_sum3A_235 [1] : vector<6400x64xf32> to vector<6400xf32>
    %broadcast_in_dim3A_237 = vector.shape_cast %reduce_sum3A_236 : vector<6400xf32> to vector<6400x1xf32>
    %div3A_238 = arith.constant 6.400000e+01 : f32
    %div3A_239 = vector.broadcast %div3A_238 : f32 to vector<6400x1xf32>
    %div3A_240 = arith.divf %broadcast_in_dim3A_237, %div3A_239 : vector<6400x1xf32>
    %add3A_241 = arith.constant 9.99999974E-6 : f32
    %add3A_242 = vector.broadcast %add3A_241 : f32 to vector<6400x1xf32>
    %add3A_243 = arith.addf %div3A_240, %add3A_242 : vector<6400x1xf32>
    %rsqrt3A = math.rsqrt %add3A_243 : vector<6400x1xf32>
    %mul3A_244 = vector.broadcast %rsqrt3A : vector<6400x1xf32> to vector<6400x64xf32>
    %mul3A_245 = arith.mulf %sub3A_233, %mul3A_244 : vector<6400x64xf32>
    %mul3A_246 = vector.broadcast %get3A_226 : vector<1x64xf32> to vector<6400x64xf32>
    %mul3A_247 = arith.mulf %mul3A_245, %mul3A_246 : vector<6400x64xf32>
    %add3A_248 = vector.broadcast %get3A_229 : vector<1x64xf32> to vector<6400x64xf32>
    %add3A_249 = arith.addf %mul3A_247, %add3A_248 : vector<6400x64xf32>
    %get3A_250 = arith.constant 0 : index
    %get3A_251 = arith.constant 0 : index
    %get3A_252 = vector.load %arg8[%get3A_250, %get3A_251] : memref<64x64xf32, #tpu.memory_space<vmem>>, vector<64x64xf32>
    %dot_general3A_253 = arith.constant dense<0.000000e+00> : vector<6400x64xf32>
    %dot_general3A_254 = tpu.matmul %add3A_249, %get3A_252, %dot_general3A_253 {dimension_numbers = #tpu.dot_dimension_numbers<[1], [0], [0], [1], [0, 0, 1, 1], [], []>, transpose_lhs_hint = false} : vector<6400x64xf32>, vector<64x64xf32>, vector<6400x64xf32> -> vector<6400x64xf32>
    %get3A_255 = arith.constant 0 : index
    %get3A_256 = arith.constant 0 : index
    %get3A_257 = vector.load %arg9[%get3A_255, %get3A_256] : memref<1x64xf32, #tpu.memory_space<vmem>>, vector<1x64xf32>
    %add3A_258 = vector.broadcast %get3A_257 : vector<1x64xf32> to vector<6400x64xf32>
    %add3A_259 = arith.addf %dot_general3A_254, %add3A_258 : vector<6400x64xf32>
    %max3A_260 = arith.constant 0.000000e+00 : f32
    %max3A_261 = vector.broadcast %max3A_260 : f32 to vector<6400x64xf32>
    %max3A_262 = arith.maximumf %add3A_259, %max3A_261 : vector<6400x64xf32>
    %get3A_263 = arith.constant 0 : index
    %get3A_264 = arith.constant 0 : index
    %get3A_265 = vector.load %arg6[%get3A_263, %get3A_264] : memref<1x64xf32, #tpu.memory_space<vmem>>, vector<1x64xf32>
    %get3A_266 = arith.constant 0 : index
    %get3A_267 = arith.constant 0 : index
    %get3A_268 = vector.load %arg7[%get3A_266, %get3A_267] : memref<1x64xf32, #tpu.memory_space<vmem>>, vector<1x64xf32>
    %reduce_sum3A_269 = arith.constant dense<0.000000e+00> : vector<6400xf32>
    %reduce_sum3A_270 = vector.multi_reduction <add>, %max3A_262, %reduce_sum3A_269 [1] : vector<6400x64xf32> to vector<6400xf32>
    %broadcast_in_dim3A_271 = vector.shape_cast %reduce_sum3A_270 : vector<6400xf32> to vector<6400x1xf32>
    %div3A_272 = arith.constant 6.400000e+01 : f32
    %div3A_273 = vector.broadcast %div3A_272 : f32 to vector<6400x1xf32>
    %div3A_274 = arith.divf %broadcast_in_dim3A_271, %div3A_273 : vector<6400x1xf32>
    %sub3A_275 = vector.broadcast %div3A_274 : vector<6400x1xf32> to vector<6400x64xf32>
    %sub3A_276 = arith.subf %max3A_262, %sub3A_275 : vector<6400x64xf32>
    %mul3A_277 = arith.mulf %sub3A_276, %sub3A_276 : vector<6400x64xf32>
    %reduce_sum3A_278 = arith.constant dense<0.000000e+00> : vector<6400xf32>
    %reduce_sum3A_279 = vector.multi_reduction <add>, %mul3A_277, %reduce_sum3A_278 [1] : vector<6400x64xf32> to vector<6400xf32>
    %broadcast_in_dim3A_280 = vector.shape_cast %reduce_sum3A_279 : vector<6400xf32> to vector<6400x1xf32>
    %div3A_281 = arith.constant 6.400000e+01 : f32
    %div3A_282 = vector.broadcast %div3A_281 : f32 to vector<6400x1xf32>
    %div3A_283 = arith.divf %broadcast_in_dim3A_280, %div3A_282 : vector<6400x1xf32>
    %add3A_284 = arith.constant 9.99999974E-6 : f32
    %add3A_285 = vector.broadcast %add3A_284 : f32 to vector<6400x1xf32>
    %add3A_286 = arith.addf %div3A_283, %add3A_285 : vector<6400x1xf32>
    %rsqrt3A_287 = math.rsqrt %add3A_286 : vector<6400x1xf32>
    %mul3A_288 = vector.broadcast %rsqrt3A_287 : vector<6400x1xf32> to vector<6400x64xf32>
    %mul3A_289 = arith.mulf %sub3A_276, %mul3A_288 : vector<6400x64xf32>
    %mul3A_290 = vector.broadcast %get3A_265 : vector<1x64xf32> to vector<6400x64xf32>
    %mul3A_291 = arith.mulf %mul3A_289, %mul3A_290 : vector<6400x64xf32>
    %add3A_292 = vector.broadcast %get3A_268 : vector<1x64xf32> to vector<6400x64xf32>
    %add3A_293 = arith.addf %mul3A_291, %add3A_292 : vector<6400x64xf32>
    %slice3A = vector.extract_strided_slice %add3A_293 {offsets = [0, 0], sizes = [800, 16], strides = [1, 1]} : vector<6400x64xf32> to vector<800x16xf32>
    %slice3A_294 = vector.extract_strided_slice %add3A_293 {offsets = [800, 0], sizes = [800, 16], strides = [1, 1]} : vector<6400x64xf32> to vector<800x16xf32>
    %slice3A_295 = vector.extract_strided_slice %add3A_293 {offsets = [1600, 0], sizes = [800, 16], strides = [1, 1]} : vector<6400x64xf32> to vector<800x16xf32>
    %slice3A_296 = vector.extract_strided_slice %add3A_293 {offsets = [2400, 0], sizes = [800, 16], strides = [1, 1]} : vector<6400x64xf32> to vector<800x16xf32>
    %slice3A_297 = vector.extract_strided_slice %add3A_293 {offsets = [3200, 0], sizes = [800, 16], strides = [1, 1]} : vector<6400x64xf32> to vector<800x16xf32>
    %slice3A_298 = vector.extract_strided_slice %add3A_293 {offsets = [4000, 0], sizes = [800, 16], strides = [1, 1]} : vector<6400x64xf32> to vector<800x16xf32>
    %slice3A_299 = vector.extract_strided_slice %add3A_293 {offsets = [4800, 0], sizes = [800, 16], strides = [1, 1]} : vector<6400x64xf32> to vector<800x16xf32>
    %slice3A_300 = vector.extract_strided_slice %add3A_293 {offsets = [5600, 0], sizes = [800, 16], strides = [1, 1]} : vector<6400x64xf32> to vector<800x16xf32>
    %concatenate3A_301 = tpu.concatenate %slice3A, %slice3A_294, %slice3A_295, %slice3A_296, %slice3A_297, %slice3A_298, %slice3A_299, %slice3A_300 in 1 : vector<800x16xf32>, vector<800x16xf32>, vector<800x16xf32>, vector<800x16xf32>, vector<800x16xf32>, vector<800x16xf32>, vector<800x16xf32>, vector<800x16xf32> -> vector<800x128xf32>
    %swap3A = arith.constant 0 : index
    %swap3A_302 = arith.constant 0 : index
    %swap3A_303 = arith.constant 0 : index
    %swap3A_304 = vector.load %arg10[%swap3A, %swap3A_302, %swap3A_303] : memref<4x800x128xf32, #tpu.memory_space<vmem>>, vector<1x800x128xf32>
    %swap3A_305 = vector.shape_cast %swap3A_304 : vector<1x800x128xf32> to vector<800x128xf32>
    %swap3A_306 = vector.shape_cast %concatenate3A_301 : vector<800x128xf32> to vector<1x800x128xf32>
    tpu.vector_store %arg10[%swap3A, %swap3A_302, %swap3A_303], %swap3A_306 {strides = array<i32>} : memref<4x800x128xf32, #tpu.memory_space<vmem>>, vector<1x800x128xf32>,
    %slice3A_307 = vector.extract_strided_slice %add3A_293 {offsets = [0, 16], sizes = [800, 16], strides = [1, 1]} : vector<6400x64xf32> to vector<800x16xf32>
    %slice3A_308 = vector.extract_strided_slice %add3A_293 {offsets = [800, 16], sizes = [800, 16], strides = [1, 1]} : vector<6400x64xf32> to vector<800x16xf32>
    %slice3A_309 = vector.extract_strided_slice %add3A_293 {offsets = [1600, 16], sizes = [800, 16], strides = [1, 1]} : vector<6400x64xf32> to vector<800x16xf32>
    %slice3A_310 = vector.extract_strided_slice %add3A_293 {offsets = [2400, 16], sizes = [800, 16], strides = [1, 1]} : vector<6400x64xf32> to vector<800x16xf32>
    %slice3A_311 = vector.extract_strided_slice %add3A_293 {offsets = [3200, 16], sizes = [800, 16], strides = [1, 1]} : vector<6400x64xf32> to vector<800x16xf32>
    %slice3A_312 = vector.extract_strided_slice %add3A_293 {offsets = [4000, 16], sizes = [800, 16], strides = [1, 1]} : vector<6400x64xf32> to vector<800x16xf32>
    %slice3A_313 = vector.extract_strided_slice %add3A_293 {offsets = [4800, 16], sizes = [800, 16], strides = [1, 1]} : vector<6400x64xf32> to vector<800x16xf32>
    %slice3A_314 = vector.extract_strided_slice %add3A_293 {offsets = [5600, 16], sizes = [800, 16], strides = [1, 1]} : vector<6400x64xf32> to vector<800x16xf32>
    %concatenate3A_315 = tpu.concatenate %slice3A_307, %slice3A_308, %slice3A_309, %slice3A_310, %slice3A_311, %slice3A_312, %slice3A_313, %slice3A_314 in 1 : vector<800x16xf32>, vector<800x16xf32>, vector<800x16xf32>, vector<800x16xf32>, vector<800x16xf32>, vector<800x16xf32>, vector<800x16xf32>, vector<800x16xf32> -> vector<800x128xf32>
    %swap3A_316 = arith.constant 1 : index
    %swap3A_317 = arith.constant 0 : index
    %swap3A_318 = arith.constant 0 : index
    %swap3A_319 = vector.load %arg10[%swap3A_316, %swap3A_317, %swap3A_318] : memref<4x800x128xf32, #tpu.memory_space<vmem>>, vector<1x800x128xf32>
    %swap3A_320 = vector.shape_cast %swap3A_319 : vector<1x800x128xf32> to vector<800x128xf32>
    %swap3A_321 = vector.shape_cast %concatenate3A_315 : vector<800x128xf32> to vector<1x800x128xf32>
    tpu.vector_store %arg10[%swap3A_316, %swap3A_317, %swap3A_318], %swap3A_321 {strides = array<i32>} : memref<4x800x128xf32, #tpu.memory_space<vmem>>, vector<1x800x128xf32>,
    %slice3A_322 = vector.extract_strided_slice %add3A_293 {offsets = [0, 32], sizes = [800, 16], strides = [1, 1]} : vector<6400x64xf32> to vector<800x16xf32>
    %slice3A_323 = vector.extract_strided_slice %add3A_293 {offsets = [800, 32], sizes = [800, 16], strides = [1, 1]} : vector<6400x64xf32> to vector<800x16xf32>
    %slice3A_324 = vector.extract_strided_slice %add3A_293 {offsets = [1600, 32], sizes = [800, 16], strides = [1, 1]} : vector<6400x64xf32> to vector<800x16xf32>
    %slice3A_325 = vector.extract_strided_slice %add3A_293 {offsets = [2400, 32], sizes = [800, 16], strides = [1, 1]} : vector<6400x64xf32> to vector<800x16xf32>
    %slice3A_326 = vector.extract_strided_slice %add3A_293 {offsets = [3200, 32], sizes = [800, 16], strides = [1, 1]} : vector<6400x64xf32> to vector<800x16xf32>
    %slice3A_327 = vector.extract_strided_slice %add3A_293 {offsets = [4000, 32], sizes = [800, 16], strides = [1, 1]} : vector<6400x64xf32> to vector<800x16xf32>
    %slice3A_328 = vector.extract_strided_slice %add3A_293 {offsets = [4800, 32], sizes = [800, 16], strides = [1, 1]} : vector<6400x64xf32> to vector<800x16xf32>
    %slice3A_329 = vector.extract_strided_slice %add3A_293 {offsets = [5600, 32], sizes = [800, 16], strides = [1, 1]} : vector<6400x64xf32> to vector<800x16xf32>
    %concatenate3A_330 = tpu.concatenate %slice3A_322, %slice3A_323, %slice3A_324, %slice3A_325, %slice3A_326, %slice3A_327, %slice3A_328, %slice3A_329 in 1 : vector<800x16xf32>, vector<800x16xf32>, vector<800x16xf32>, vector<800x16xf32>, vector<800x16xf32>, vector<800x16xf32>, vector<800x16xf32>, vector<800x16xf32> -> vector<800x128xf32>
    %swap3A_331 = arith.constant 2 : index
    %swap3A_332 = arith.constant 0 : index
    %swap3A_333 = arith.constant 0 : index
    %swap3A_334 = vector.load %arg10[%swap3A_331, %swap3A_332, %swap3A_333] : memref<4x800x128xf32, #tpu.memory_space<vmem>>, vector<1x800x128xf32>
    %swap3A_335 = vector.shape_cast %swap3A_334 : vector<1x800x128xf32> to vector<800x128xf32>
    %swap3A_336 = vector.shape_cast %concatenate3A_330 : vector<800x128xf32> to vector<1x800x128xf32>
    tpu.vector_store %arg10[%swap3A_331, %swap3A_332, %swap3A_333], %swap3A_336 {strides = array<i32>} : memref<4x800x128xf32, #tpu.memory_space<vmem>>, vector<1x800x128xf32>,
    %slice3A_337 = vector.extract_strided_slice %add3A_293 {offsets = [0, 48], sizes = [800, 16], strides = [1, 1]} : vector<6400x64xf32> to vector<800x16xf32>
    %slice3A_338 = vector.extract_strided_slice %add3A_293 {offsets = [800, 48], sizes = [800, 16], strides = [1, 1]} : vector<6400x64xf32> to vector<800x16xf32>
    %slice3A_339 = vector.extract_strided_slice %add3A_293 {offsets = [1600, 48], sizes = [800, 16], strides = [1, 1]} : vector<6400x64xf32> to vector<800x16xf32>
    %slice3A_340 = vector.extract_strided_slice %add3A_293 {offsets = [2400, 48], sizes = [800, 16], strides = [1, 1]} : vector<6400x64xf32> to vector<800x16xf32>
    %slice3A_341 = vector.extract_strided_slice %add3A_293 {offsets = [3200, 48], sizes = [800, 16], strides = [1, 1]} : vector<6400x64xf32> to vector<800x16xf32>
    %slice3A_342 = vector.extract_strided_slice %add3A_293 {offsets = [4000, 48], sizes = [800, 16], strides = [1, 1]} : vector<6400x64xf32> to vector<800x16xf32>
    %slice3A_343 = vector.extract_strided_slice %add3A_293 {offsets = [4800, 48], sizes = [800, 16], strides = [1, 1]} : vector<6400x64xf32> to vector<800x16xf32>
    %slice3A_344 = vector.extract_strided_slice %add3A_293 {offsets = [5600, 48], sizes = [800, 16], strides = [1, 1]} : vector<6400x64xf32> to vector<800x16xf32>
    %concatenate3A_345 = tpu.concatenate %slice3A_337, %slice3A_338, %slice3A_339, %slice3A_340, %slice3A_341, %slice3A_342, %slice3A_343, %slice3A_344 in 1 : vector<800x16xf32>, vector<800x16xf32>, vector<800x16xf32>, vector<800x16xf32>, vector<800x16xf32>, vector<800x16xf32>, vector<800x16xf32>, vector<800x16xf32> -> vector<800x128xf32>
    %swap3A_346 = arith.constant 3 : index
    %swap3A_347 = arith.constant 0 : index
    %swap3A_348 = arith.constant 0 : index
    %swap3A_349 = vector.load %arg10[%swap3A_346, %swap3A_347, %swap3A_348] : memref<4x800x128xf32, #tpu.memory_space<vmem>>, vector<1x800x128xf32>
    %swap3A_350 = vector.shape_cast %swap3A_349 : vector<1x800x128xf32> to vector<800x128xf32>
    %swap3A_351 = vector.shape_cast %concatenate3A_345 : vector<800x128xf32> to vector<1x800x128xf32>
    tpu.vector_store %arg10[%swap3A_346, %swap3A_347, %swap3A_348], %swap3A_351 {strides = array<i32>} : memref<4x800x128xf32, #tpu.memory_space<vmem>>, vector<1x800x128xf32>,
    return
  }
  func.func @transform_0(%arg0: i32) -> (i32, i32) {
    %c0_i32 = arith.constant 0 : i32
    %c0_i32_0 = arith.constant 0 : i32
    return %arg0, %c0_i32 : i32, i32
  }
  func.func @transform_1(%arg0: i32) -> (i32, i32, i32) {
    %c0_i32 = arith.constant 0 : i32
    %c0_i32_0 = arith.constant 0 : i32
    %c0_i32_1 = arith.constant 0 : i32
    return %c0_i32, %arg0, %c0_i32_0 : i32, i32, i32
  }
  func.func @transform_2(%arg0: i32) -> (i32, i32) {
    %c0_i32 = arith.constant 0 : i32
    %c0_i32_0 = arith.constant 0 : i32
    %c0_i32_1 = arith.constant 0 : i32
    return %c0_i32, %c0_i32_0 : i32, i32
  }
  func.func @transform_3(%arg0: i32) -> (i32, i32) {
    %c0_i32 = arith.constant 0 : i32
    %c0_i32_0 = arith.constant 0 : i32
    %c0_i32_1 = arith.constant 0 : i32
    return %c0_i32, %c0_i32_0 : i32, i32
  }
  func.func @transform_4(%arg0: i32) -> (i32, i32) {
    %c0_i32 = arith.constant 0 : i32
    %c0_i32_0 = arith.constant 0 : i32
    %c0_i32_1 = arith.constant 0 : i32
    return %c0_i32, %c0_i32_0 : i32, i32
  }
  func.func @transform_5(%arg0: i32) -> (i32, i32) {
    %c0_i32 = arith.constant 0 : i32
    %c0_i32_0 = arith.constant 0 : i32
    %c0_i32_1 = arith.constant 0 : i32
    return %c0_i32, %c0_i32_0 : i32, i32
  }
  func.func @transform_6(%arg0: i32) -> (i32, i32) {
    %c0_i32 = arith.constant 0 : i32
    %c0_i32_0 = arith.constant 0 : i32
    %c0_i32_1 = arith.constant 0 : i32
    return %c0_i32, %c0_i32_0 : i32, i32
  }
  func.func @transform_7(%arg0: i32) -> (i32, i32) {
    %c0_i32 = arith.constant 0 : i32
    %c0_i32_0 = arith.constant 0 : i32
    %c0_i32_1 = arith.constant 0 : i32
    return %c0_i32, %c0_i32_0 : i32, i32
  }
  func.func @transform_8(%arg0: i32) -> (i32, i32) {
    %c0_i32 = arith.constant 0 : i32
    %c0_i32_0 = arith.constant 0 : i32
    %c0_i32_1 = arith.constant 0 : i32
    return %c0_i32, %c0_i32_0 : i32, i32
  }
  func.func @transform_9(%arg0: i32) -> (i32, i32, i32) {
    %c0_i32 = arith.constant 0 : i32
    %c0_i32_0 = arith.constant 0 : i32
    %c0_i32_1 = arith.constant 0 : i32
    return %c0_i32, %arg0, %c0_i32_0 : i32, i32, i32
  }
}

module attributes {stable_mosaic.version = 14 : i64} {
  func.func @_out_body(%arg0: i32, %arg1: memref<4x800x128xf32, #tpu.memory_space<vmem>>, %arg2: memref<64x64xf32, #tpu.memory_space<vmem>>, %arg3: memref<1x64xf32, #tpu.memory_space<vmem>>, %arg4: memref<800x512xf32, #tpu.memory_space<vmem>>) attributes {dimension_semantics = [#tpu.dimension_semantics<arbitrary>], iteration_bounds = array<i64: 16>, scalar_prefetch = 0 : i64, scratch_operands = 0 : i64, tpu.core_type = #tpu.core_type<tc>, window_params = [{transform_indices = @transform_0, window_bounds = array<i64: 4, 800, 128>}, {pipeline_mode = #tpu.pipeline_mode<synchronous>, transform_indices = @transform_1, window_bounds = array<i64: 64, 64>}, {pipeline_mode = #tpu.pipeline_mode<synchronous>, transform_indices = @transform_2, window_bounds = array<i64: 1, 64>}, {transform_indices = @transform_3, window_bounds = array<i64: 800, 512>}]} {
    %get3A = arith.constant 0 : index
    %get3A_0 = arith.constant 0 : index
    %get3A_1 = vector.load %arg3[%get3A, %get3A_0] : memref<1x64xf32, #tpu.memory_space<vmem>>, vector<1x64xf32>
    %get3A_2 = arith.constant 0 : index
    %get3A_3 = arith.constant 0 : index
    %get3A_4 = arith.constant 0 : index
    %get3A_5 = vector.load %arg1[%get3A_2, %get3A_3, %get3A_4] : memref<4x800x128xf32, #tpu.memory_space<vmem>>, vector<1x800x128xf32>
    %get3A_6 = vector.shape_cast %get3A_5 : vector<1x800x128xf32> to vector<800x128xf32>
    %slice3A = vector.extract_strided_slice %get3A_6 {offsets = [0, 0], sizes = [800, 16], strides = [1, 1]} : vector<800x128xf32> to vector<800x16xf32>
    %get3A_7 = arith.constant 0 : index
    %get3A_8 = arith.constant 0 : index
    %get3A_9 = vector.load %arg2[%get3A_7, %get3A_8] : memref<64x64xf32, #tpu.memory_space<vmem>>, vector<16x64xf32>
    %dot_general3A = arith.constant dense<0.000000e+00> : vector<800x64xf32>
    %dot_general3A_10 = tpu.matmul %slice3A, %get3A_9, %dot_general3A {dimension_numbers = #tpu.dot_dimension_numbers<[1], [0], [0], [1], [0, 0, 1, 1], [], []>, transpose_lhs_hint = false} : vector<800x16xf32>, vector<16x64xf32>, vector<800x64xf32> -> vector<800x64xf32>
    %add3A = vector.broadcast %get3A_1 : vector<1x64xf32> to vector<800x64xf32>
    %add3A_11 = arith.addf %add3A, %dot_general3A_10 : vector<800x64xf32>
    %get3A_12 = arith.constant 1 : index
    %get3A_13 = arith.constant 0 : index
    %get3A_14 = arith.constant 0 : index
    %get3A_15 = vector.load %arg1[%get3A_12, %get3A_13, %get3A_14] : memref<4x800x128xf32, #tpu.memory_space<vmem>>, vector<1x800x128xf32>
    %get3A_16 = vector.shape_cast %get3A_15 : vector<1x800x128xf32> to vector<800x128xf32>
    %slice3A_17 = vector.extract_strided_slice %get3A_16 {offsets = [0, 0], sizes = [800, 16], strides = [1, 1]} : vector<800x128xf32> to vector<800x16xf32>
    %get3A_18 = arith.constant 16 : index
    %get3A_19 = arith.constant 0 : index
    %get3A_20 = vector.load %arg2[%get3A_18, %get3A_19] : memref<64x64xf32, #tpu.memory_space<vmem>>, vector<16x64xf32>
    %dot_general3A_21 = arith.constant dense<0.000000e+00> : vector<800x64xf32>
    %dot_general3A_22 = tpu.matmul %slice3A_17, %get3A_20, %dot_general3A_21 {dimension_numbers = #tpu.dot_dimension_numbers<[1], [0], [0], [1], [0, 0, 1, 1], [], []>, transpose_lhs_hint = false} : vector<800x16xf32>, vector<16x64xf32>, vector<800x64xf32> -> vector<800x64xf32>
    %add3A_23 = arith.addf %add3A_11, %dot_general3A_22 : vector<800x64xf32>
    %get3A_24 = arith.constant 2 : index
    %get3A_25 = arith.constant 0 : index
    %get3A_26 = arith.constant 0 : index
    %get3A_27 = vector.load %arg1[%get3A_24, %get3A_25, %get3A_26] : memref<4x800x128xf32, #tpu.memory_space<vmem>>, vector<1x800x128xf32>
    %get3A_28 = vector.shape_cast %get3A_27 : vector<1x800x128xf32> to vector<800x128xf32>
    %slice3A_29 = vector.extract_strided_slice %get3A_28 {offsets = [0, 0], sizes = [800, 16], strides = [1, 1]} : vector<800x128xf32> to vector<800x16xf32>
    %get3A_30 = arith.constant 32 : index
    %get3A_31 = arith.constant 0 : index
    %get3A_32 = vector.load %arg2[%get3A_30, %get3A_31] : memref<64x64xf32, #tpu.memory_space<vmem>>, vector<16x64xf32>
    %dot_general3A_33 = arith.constant dense<0.000000e+00> : vector<800x64xf32>
    %dot_general3A_34 = tpu.matmul %slice3A_29, %get3A_32, %dot_general3A_33 {dimension_numbers = #tpu.dot_dimension_numbers<[1], [0], [0], [1], [0, 0, 1, 1], [], []>, transpose_lhs_hint = false} : vector<800x16xf32>, vector<16x64xf32>, vector<800x64xf32> -> vector<800x64xf32>
    %add3A_35 = arith.addf %add3A_23, %dot_general3A_34 : vector<800x64xf32>
    %get3A_36 = arith.constant 3 : index
    %get3A_37 = arith.constant 0 : index
    %get3A_38 = arith.constant 0 : index
    %get3A_39 = vector.load %arg1[%get3A_36, %get3A_37, %get3A_38] : memref<4x800x128xf32, #tpu.memory_space<vmem>>, vector<1x800x128xf32>
    %get3A_40 = vector.shape_cast %get3A_39 : vector<1x800x128xf32> to vector<800x128xf32>
    %slice3A_41 = vector.extract_strided_slice %get3A_40 {offsets = [0, 0], sizes = [800, 16], strides = [1, 1]} : vector<800x128xf32> to vector<800x16xf32>
    %get3A_42 = arith.constant 48 : index
    %get3A_43 = arith.constant 0 : index
    %get3A_44 = vector.load %arg2[%get3A_42, %get3A_43] : memref<64x64xf32, #tpu.memory_space<vmem>>, vector<16x64xf32>
    %dot_general3A_45 = arith.constant dense<0.000000e+00> : vector<800x64xf32>
    %dot_general3A_46 = tpu.matmul %slice3A_41, %get3A_44, %dot_general3A_45 {dimension_numbers = #tpu.dot_dimension_numbers<[1], [0], [0], [1], [0, 0, 1, 1], [], []>, transpose_lhs_hint = false} : vector<800x16xf32>, vector<16x64xf32>, vector<800x64xf32> -> vector<800x64xf32>
    %add3A_47 = arith.addf %add3A_35, %dot_general3A_46 : vector<800x64xf32>
    %get3A_48 = arith.constant 0 : index
    %get3A_49 = arith.constant 0 : index
    %get3A_50 = vector.load %arg3[%get3A_48, %get3A_49] : memref<1x64xf32, #tpu.memory_space<vmem>>, vector<1x64xf32>
    %get3A_51 = arith.constant 0 : index
    %get3A_52 = arith.constant 0 : index
    %get3A_53 = arith.constant 0 : index
    %get3A_54 = vector.load %arg1[%get3A_51, %get3A_52, %get3A_53] : memref<4x800x128xf32, #tpu.memory_space<vmem>>, vector<1x800x128xf32>
    %get3A_55 = vector.shape_cast %get3A_54 : vector<1x800x128xf32> to vector<800x128xf32>
    %slice3A_56 = vector.extract_strided_slice %get3A_55 {offsets = [0, 16], sizes = [800, 16], strides = [1, 1]} : vector<800x128xf32> to vector<800x16xf32>
    %get3A_57 = arith.constant 0 : index
    %get3A_58 = arith.constant 0 : index
    %get3A_59 = vector.load %arg2[%get3A_57, %get3A_58] : memref<64x64xf32, #tpu.memory_space<vmem>>, vector<16x64xf32>
    %dot_general3A_60 = arith.constant dense<0.000000e+00> : vector<800x64xf32>
    %dot_general3A_61 = tpu.matmul %slice3A_56, %get3A_59, %dot_general3A_60 {dimension_numbers = #tpu.dot_dimension_numbers<[1], [0], [0], [1], [0, 0, 1, 1], [], []>, transpose_lhs_hint = false} : vector<800x16xf32>, vector<16x64xf32>, vector<800x64xf32> -> vector<800x64xf32>
    %add3A_62 = vector.broadcast %get3A_50 : vector<1x64xf32> to vector<800x64xf32>
    %add3A_63 = arith.addf %add3A_62, %dot_general3A_61 : vector<800x64xf32>
    %get3A_64 = arith.constant 1 : index
    %get3A_65 = arith.constant 0 : index
    %get3A_66 = arith.constant 0 : index
    %get3A_67 = vector.load %arg1[%get3A_64, %get3A_65, %get3A_66] : memref<4x800x128xf32, #tpu.memory_space<vmem>>, vector<1x800x128xf32>
    %get3A_68 = vector.shape_cast %get3A_67 : vector<1x800x128xf32> to vector<800x128xf32>
    %slice3A_69 = vector.extract_strided_slice %get3A_68 {offsets = [0, 16], sizes = [800, 16], strides = [1, 1]} : vector<800x128xf32> to vector<800x16xf32>
    %get3A_70 = arith.constant 16 : index
    %get3A_71 = arith.constant 0 : index
    %get3A_72 = vector.load %arg2[%get3A_70, %get3A_71] : memref<64x64xf32, #tpu.memory_space<vmem>>, vector<16x64xf32>
    %dot_general3A_73 = arith.constant dense<0.000000e+00> : vector<800x64xf32>
    %dot_general3A_74 = tpu.matmul %slice3A_69, %get3A_72, %dot_general3A_73 {dimension_numbers = #tpu.dot_dimension_numbers<[1], [0], [0], [1], [0, 0, 1, 1], [], []>, transpose_lhs_hint = false} : vector<800x16xf32>, vector<16x64xf32>, vector<800x64xf32> -> vector<800x64xf32>
    %add3A_75 = arith.addf %add3A_63, %dot_general3A_74 : vector<800x64xf32>
    %get3A_76 = arith.constant 2 : index
    %get3A_77 = arith.constant 0 : index
    %get3A_78 = arith.constant 0 : index
    %get3A_79 = vector.load %arg1[%get3A_76, %get3A_77, %get3A_78] : memref<4x800x128xf32, #tpu.memory_space<vmem>>, vector<1x800x128xf32>
    %get3A_80 = vector.shape_cast %get3A_79 : vector<1x800x128xf32> to vector<800x128xf32>
    %slice3A_81 = vector.extract_strided_slice %get3A_80 {offsets = [0, 16], sizes = [800, 16], strides = [1, 1]} : vector<800x128xf32> to vector<800x16xf32>
    %get3A_82 = arith.constant 32 : index
    %get3A_83 = arith.constant 0 : index
    %get3A_84 = vector.load %arg2[%get3A_82, %get3A_83] : memref<64x64xf32, #tpu.memory_space<vmem>>, vector<16x64xf32>
    %dot_general3A_85 = arith.constant dense<0.000000e+00> : vector<800x64xf32>
    %dot_general3A_86 = tpu.matmul %slice3A_81, %get3A_84, %dot_general3A_85 {dimension_numbers = #tpu.dot_dimension_numbers<[1], [0], [0], [1], [0, 0, 1, 1], [], []>, transpose_lhs_hint = false} : vector<800x16xf32>, vector<16x64xf32>, vector<800x64xf32> -> vector<800x64xf32>
    %add3A_87 = arith.addf %add3A_75, %dot_general3A_86 : vector<800x64xf32>
    %get3A_88 = arith.constant 3 : index
    %get3A_89 = arith.constant 0 : index
    %get3A_90 = arith.constant 0 : index
    %get3A_91 = vector.load %arg1[%get3A_88, %get3A_89, %get3A_90] : memref<4x800x128xf32, #tpu.memory_space<vmem>>, vector<1x800x128xf32>
    %get3A_92 = vector.shape_cast %get3A_91 : vector<1x800x128xf32> to vector<800x128xf32>
    %slice3A_93 = vector.extract_strided_slice %get3A_92 {offsets = [0, 16], sizes = [800, 16], strides = [1, 1]} : vector<800x128xf32> to vector<800x16xf32>
    %get3A_94 = arith.constant 48 : index
    %get3A_95 = arith.constant 0 : index
    %get3A_96 = vector.load %arg2[%get3A_94, %get3A_95] : memref<64x64xf32, #tpu.memory_space<vmem>>, vector<16x64xf32>
    %dot_general3A_97 = arith.constant dense<0.000000e+00> : vector<800x64xf32>
    %dot_general3A_98 = tpu.matmul %slice3A_93, %get3A_96, %dot_general3A_97 {dimension_numbers = #tpu.dot_dimension_numbers<[1], [0], [0], [1], [0, 0, 1, 1], [], []>, transpose_lhs_hint = false} : vector<800x16xf32>, vector<16x64xf32>, vector<800x64xf32> -> vector<800x64xf32>
    %add3A_99 = arith.addf %add3A_87, %dot_general3A_98 : vector<800x64xf32>
    %get3A_100 = arith.constant 0 : index
    %get3A_101 = arith.constant 0 : index
    %get3A_102 = vector.load %arg3[%get3A_100, %get3A_101] : memref<1x64xf32, #tpu.memory_space<vmem>>, vector<1x64xf32>
    %get3A_103 = arith.constant 0 : index
    %get3A_104 = arith.constant 0 : index
    %get3A_105 = arith.constant 0 : index
    %get3A_106 = vector.load %arg1[%get3A_103, %get3A_104, %get3A_105] : memref<4x800x128xf32, #tpu.memory_space<vmem>>, vector<1x800x128xf32>
    %get3A_107 = vector.shape_cast %get3A_106 : vector<1x800x128xf32> to vector<800x128xf32>
    %slice3A_108 = vector.extract_strided_slice %get3A_107 {offsets = [0, 32], sizes = [800, 16], strides = [1, 1]} : vector<800x128xf32> to vector<800x16xf32>
    %get3A_109 = arith.constant 0 : index
    %get3A_110 = arith.constant 0 : index
    %get3A_111 = vector.load %arg2[%get3A_109, %get3A_110] : memref<64x64xf32, #tpu.memory_space<vmem>>, vector<16x64xf32>
    %dot_general3A_112 = arith.constant dense<0.000000e+00> : vector<800x64xf32>
    %dot_general3A_113 = tpu.matmul %slice3A_108, %get3A_111, %dot_general3A_112 {dimension_numbers = #tpu.dot_dimension_numbers<[1], [0], [0], [1], [0, 0, 1, 1], [], []>, transpose_lhs_hint = false} : vector<800x16xf32>, vector<16x64xf32>, vector<800x64xf32> -> vector<800x64xf32>
    %add3A_114 = vector.broadcast %get3A_102 : vector<1x64xf32> to vector<800x64xf32>
    %add3A_115 = arith.addf %add3A_114, %dot_general3A_113 : vector<800x64xf32>
    %get3A_116 = arith.constant 1 : index
    %get3A_117 = arith.constant 0 : index
    %get3A_118 = arith.constant 0 : index
    %get3A_119 = vector.load %arg1[%get3A_116, %get3A_117, %get3A_118] : memref<4x800x128xf32, #tpu.memory_space<vmem>>, vector<1x800x128xf32>
    %get3A_120 = vector.shape_cast %get3A_119 : vector<1x800x128xf32> to vector<800x128xf32>
    %slice3A_121 = vector.extract_strided_slice %get3A_120 {offsets = [0, 32], sizes = [800, 16], strides = [1, 1]} : vector<800x128xf32> to vector<800x16xf32>
    %get3A_122 = arith.constant 16 : index
    %get3A_123 = arith.constant 0 : index
    %get3A_124 = vector.load %arg2[%get3A_122, %get3A_123] : memref<64x64xf32, #tpu.memory_space<vmem>>, vector<16x64xf32>
    %dot_general3A_125 = arith.constant dense<0.000000e+00> : vector<800x64xf32>
    %dot_general3A_126 = tpu.matmul %slice3A_121, %get3A_124, %dot_general3A_125 {dimension_numbers = #tpu.dot_dimension_numbers<[1], [0], [0], [1], [0, 0, 1, 1], [], []>, transpose_lhs_hint = false} : vector<800x16xf32>, vector<16x64xf32>, vector<800x64xf32> -> vector<800x64xf32>
    %add3A_127 = arith.addf %add3A_115, %dot_general3A_126 : vector<800x64xf32>
    %get3A_128 = arith.constant 2 : index
    %get3A_129 = arith.constant 0 : index
    %get3A_130 = arith.constant 0 : index
    %get3A_131 = vector.load %arg1[%get3A_128, %get3A_129, %get3A_130] : memref<4x800x128xf32, #tpu.memory_space<vmem>>, vector<1x800x128xf32>
    %get3A_132 = vector.shape_cast %get3A_131 : vector<1x800x128xf32> to vector<800x128xf32>
    %slice3A_133 = vector.extract_strided_slice %get3A_132 {offsets = [0, 32], sizes = [800, 16], strides = [1, 1]} : vector<800x128xf32> to vector<800x16xf32>
    %get3A_134 = arith.constant 32 : index
    %get3A_135 = arith.constant 0 : index
    %get3A_136 = vector.load %arg2[%get3A_134, %get3A_135] : memref<64x64xf32, #tpu.memory_space<vmem>>, vector<16x64xf32>
    %dot_general3A_137 = arith.constant dense<0.000000e+00> : vector<800x64xf32>
    %dot_general3A_138 = tpu.matmul %slice3A_133, %get3A_136, %dot_general3A_137 {dimension_numbers = #tpu.dot_dimension_numbers<[1], [0], [0], [1], [0, 0, 1, 1], [], []>, transpose_lhs_hint = false} : vector<800x16xf32>, vector<16x64xf32>, vector<800x64xf32> -> vector<800x64xf32>
    %add3A_139 = arith.addf %add3A_127, %dot_general3A_138 : vector<800x64xf32>
    %get3A_140 = arith.constant 3 : index
    %get3A_141 = arith.constant 0 : index
    %get3A_142 = arith.constant 0 : index
    %get3A_143 = vector.load %arg1[%get3A_140, %get3A_141, %get3A_142] : memref<4x800x128xf32, #tpu.memory_space<vmem>>, vector<1x800x128xf32>
    %get3A_144 = vector.shape_cast %get3A_143 : vector<1x800x128xf32> to vector<800x128xf32>
    %slice3A_145 = vector.extract_strided_slice %get3A_144 {offsets = [0, 32], sizes = [800, 16], strides = [1, 1]} : vector<800x128xf32> to vector<800x16xf32>
    %get3A_146 = arith.constant 48 : index
    %get3A_147 = arith.constant 0 : index
    %get3A_148 = vector.load %arg2[%get3A_146, %get3A_147] : memref<64x64xf32, #tpu.memory_space<vmem>>, vector<16x64xf32>
    %dot_general3A_149 = arith.constant dense<0.000000e+00> : vector<800x64xf32>
    %dot_general3A_150 = tpu.matmul %slice3A_145, %get3A_148, %dot_general3A_149 {dimension_numbers = #tpu.dot_dimension_numbers<[1], [0], [0], [1], [0, 0, 1, 1], [], []>, transpose_lhs_hint = false} : vector<800x16xf32>, vector<16x64xf32>, vector<800x64xf32> -> vector<800x64xf32>
    %add3A_151 = arith.addf %add3A_139, %dot_general3A_150 : vector<800x64xf32>
    %get3A_152 = arith.constant 0 : index
    %get3A_153 = arith.constant 0 : index
    %get3A_154 = vector.load %arg3[%get3A_152, %get3A_153] : memref<1x64xf32, #tpu.memory_space<vmem>>, vector<1x64xf32>
    %get3A_155 = arith.constant 0 : index
    %get3A_156 = arith.constant 0 : index
    %get3A_157 = arith.constant 0 : index
    %get3A_158 = vector.load %arg1[%get3A_155, %get3A_156, %get3A_157] : memref<4x800x128xf32, #tpu.memory_space<vmem>>, vector<1x800x128xf32>
    %get3A_159 = vector.shape_cast %get3A_158 : vector<1x800x128xf32> to vector<800x128xf32>
    %slice3A_160 = vector.extract_strided_slice %get3A_159 {offsets = [0, 48], sizes = [800, 16], strides = [1, 1]} : vector<800x128xf32> to vector<800x16xf32>
    %get3A_161 = arith.constant 0 : index
    %get3A_162 = arith.constant 0 : index
    %get3A_163 = vector.load %arg2[%get3A_161, %get3A_162] : memref<64x64xf32, #tpu.memory_space<vmem>>, vector<16x64xf32>
    %dot_general3A_164 = arith.constant dense<0.000000e+00> : vector<800x64xf32>
    %dot_general3A_165 = tpu.matmul %slice3A_160, %get3A_163, %dot_general3A_164 {dimension_numbers = #tpu.dot_dimension_numbers<[1], [0], [0], [1], [0, 0, 1, 1], [], []>, transpose_lhs_hint = false} : vector<800x16xf32>, vector<16x64xf32>, vector<800x64xf32> -> vector<800x64xf32>
    %add3A_166 = vector.broadcast %get3A_154 : vector<1x64xf32> to vector<800x64xf32>
    %add3A_167 = arith.addf %add3A_166, %dot_general3A_165 : vector<800x64xf32>
    %get3A_168 = arith.constant 1 : index
    %get3A_169 = arith.constant 0 : index
    %get3A_170 = arith.constant 0 : index
    %get3A_171 = vector.load %arg1[%get3A_168, %get3A_169, %get3A_170] : memref<4x800x128xf32, #tpu.memory_space<vmem>>, vector<1x800x128xf32>
    %get3A_172 = vector.shape_cast %get3A_171 : vector<1x800x128xf32> to vector<800x128xf32>
    %slice3A_173 = vector.extract_strided_slice %get3A_172 {offsets = [0, 48], sizes = [800, 16], strides = [1, 1]} : vector<800x128xf32> to vector<800x16xf32>
    %get3A_174 = arith.constant 16 : index
    %get3A_175 = arith.constant 0 : index
    %get3A_176 = vector.load %arg2[%get3A_174, %get3A_175] : memref<64x64xf32, #tpu.memory_space<vmem>>, vector<16x64xf32>
    %dot_general3A_177 = arith.constant dense<0.000000e+00> : vector<800x64xf32>
    %dot_general3A_178 = tpu.matmul %slice3A_173, %get3A_176, %dot_general3A_177 {dimension_numbers = #tpu.dot_dimension_numbers<[1], [0], [0], [1], [0, 0, 1, 1], [], []>, transpose_lhs_hint = false} : vector<800x16xf32>, vector<16x64xf32>, vector<800x64xf32> -> vector<800x64xf32>
    %add3A_179 = arith.addf %add3A_167, %dot_general3A_178 : vector<800x64xf32>
    %get3A_180 = arith.constant 2 : index
    %get3A_181 = arith.constant 0 : index
    %get3A_182 = arith.constant 0 : index
    %get3A_183 = vector.load %arg1[%get3A_180, %get3A_181, %get3A_182] : memref<4x800x128xf32, #tpu.memory_space<vmem>>, vector<1x800x128xf32>
    %get3A_184 = vector.shape_cast %get3A_183 : vector<1x800x128xf32> to vector<800x128xf32>
    %slice3A_185 = vector.extract_strided_slice %get3A_184 {offsets = [0, 48], sizes = [800, 16], strides = [1, 1]} : vector<800x128xf32> to vector<800x16xf32>
    %get3A_186 = arith.constant 32 : index
    %get3A_187 = arith.constant 0 : index
    %get3A_188 = vector.load %arg2[%get3A_186, %get3A_187] : memref<64x64xf32, #tpu.memory_space<vmem>>, vector<16x64xf32>
    %dot_general3A_189 = arith.constant dense<0.000000e+00> : vector<800x64xf32>
    %dot_general3A_190 = tpu.matmul %slice3A_185, %get3A_188, %dot_general3A_189 {dimension_numbers = #tpu.dot_dimension_numbers<[1], [0], [0], [1], [0, 0, 1, 1], [], []>, transpose_lhs_hint = false} : vector<800x16xf32>, vector<16x64xf32>, vector<800x64xf32> -> vector<800x64xf32>
    %add3A_191 = arith.addf %add3A_179, %dot_general3A_190 : vector<800x64xf32>
    %get3A_192 = arith.constant 3 : index
    %get3A_193 = arith.constant 0 : index
    %get3A_194 = arith.constant 0 : index
    %get3A_195 = vector.load %arg1[%get3A_192, %get3A_193, %get3A_194] : memref<4x800x128xf32, #tpu.memory_space<vmem>>, vector<1x800x128xf32>
    %get3A_196 = vector.shape_cast %get3A_195 : vector<1x800x128xf32> to vector<800x128xf32>
    %slice3A_197 = vector.extract_strided_slice %get3A_196 {offsets = [0, 48], sizes = [800, 16], strides = [1, 1]} : vector<800x128xf32> to vector<800x16xf32>
    %get3A_198 = arith.constant 48 : index
    %get3A_199 = arith.constant 0 : index
    %get3A_200 = vector.load %arg2[%get3A_198, %get3A_199] : memref<64x64xf32, #tpu.memory_space<vmem>>, vector<16x64xf32>
    %dot_general3A_201 = arith.constant dense<0.000000e+00> : vector<800x64xf32>
    %dot_general3A_202 = tpu.matmul %slice3A_197, %get3A_200, %dot_general3A_201 {dimension_numbers = #tpu.dot_dimension_numbers<[1], [0], [0], [1], [0, 0, 1, 1], [], []>, transpose_lhs_hint = false} : vector<800x16xf32>, vector<16x64xf32>, vector<800x64xf32> -> vector<800x64xf32>
    %add3A_203 = arith.addf %add3A_191, %dot_general3A_202 : vector<800x64xf32>
    %get3A_204 = arith.constant 0 : index
    %get3A_205 = arith.constant 0 : index
    %get3A_206 = vector.load %arg3[%get3A_204, %get3A_205] : memref<1x64xf32, #tpu.memory_space<vmem>>, vector<1x64xf32>
    %get3A_207 = arith.constant 0 : index
    %get3A_208 = arith.constant 0 : index
    %get3A_209 = arith.constant 0 : index
    %get3A_210 = vector.load %arg1[%get3A_207, %get3A_208, %get3A_209] : memref<4x800x128xf32, #tpu.memory_space<vmem>>, vector<1x800x128xf32>
    %get3A_211 = vector.shape_cast %get3A_210 : vector<1x800x128xf32> to vector<800x128xf32>
    %slice3A_212 = vector.extract_strided_slice %get3A_211 {offsets = [0, 64], sizes = [800, 16], strides = [1, 1]} : vector<800x128xf32> to vector<800x16xf32>
    %get3A_213 = arith.constant 0 : index
    %get3A_214 = arith.constant 0 : index
    %get3A_215 = vector.load %arg2[%get3A_213, %get3A_214] : memref<64x64xf32, #tpu.memory_space<vmem>>, vector<16x64xf32>
    %dot_general3A_216 = arith.constant dense<0.000000e+00> : vector<800x64xf32>
    %dot_general3A_217 = tpu.matmul %slice3A_212, %get3A_215, %dot_general3A_216 {dimension_numbers = #tpu.dot_dimension_numbers<[1], [0], [0], [1], [0, 0, 1, 1], [], []>, transpose_lhs_hint = false} : vector<800x16xf32>, vector<16x64xf32>, vector<800x64xf32> -> vector<800x64xf32>
    %add3A_218 = vector.broadcast %get3A_206 : vector<1x64xf32> to vector<800x64xf32>
    %add3A_219 = arith.addf %add3A_218, %dot_general3A_217 : vector<800x64xf32>
    %get3A_220 = arith.constant 1 : index
    %get3A_221 = arith.constant 0 : index
    %get3A_222 = arith.constant 0 : index
    %get3A_223 = vector.load %arg1[%get3A_220, %get3A_221, %get3A_222] : memref<4x800x128xf32, #tpu.memory_space<vmem>>, vector<1x800x128xf32>
    %get3A_224 = vector.shape_cast %get3A_223 : vector<1x800x128xf32> to vector<800x128xf32>
    %slice3A_225 = vector.extract_strided_slice %get3A_224 {offsets = [0, 64], sizes = [800, 16], strides = [1, 1]} : vector<800x128xf32> to vector<800x16xf32>
    %get3A_226 = arith.constant 16 : index
    %get3A_227 = arith.constant 0 : index
    %get3A_228 = vector.load %arg2[%get3A_226, %get3A_227] : memref<64x64xf32, #tpu.memory_space<vmem>>, vector<16x64xf32>
    %dot_general3A_229 = arith.constant dense<0.000000e+00> : vector<800x64xf32>
    %dot_general3A_230 = tpu.matmul %slice3A_225, %get3A_228, %dot_general3A_229 {dimension_numbers = #tpu.dot_dimension_numbers<[1], [0], [0], [1], [0, 0, 1, 1], [], []>, transpose_lhs_hint = false} : vector<800x16xf32>, vector<16x64xf32>, vector<800x64xf32> -> vector<800x64xf32>
    %add3A_231 = arith.addf %add3A_219, %dot_general3A_230 : vector<800x64xf32>
    %get3A_232 = arith.constant 2 : index
    %get3A_233 = arith.constant 0 : index
    %get3A_234 = arith.constant 0 : index
    %get3A_235 = vector.load %arg1[%get3A_232, %get3A_233, %get3A_234] : memref<4x800x128xf32, #tpu.memory_space<vmem>>, vector<1x800x128xf32>
    %get3A_236 = vector.shape_cast %get3A_235 : vector<1x800x128xf32> to vector<800x128xf32>
    %slice3A_237 = vector.extract_strided_slice %get3A_236 {offsets = [0, 64], sizes = [800, 16], strides = [1, 1]} : vector<800x128xf32> to vector<800x16xf32>
    %get3A_238 = arith.constant 32 : index
    %get3A_239 = arith.constant 0 : index
    %get3A_240 = vector.load %arg2[%get3A_238, %get3A_239] : memref<64x64xf32, #tpu.memory_space<vmem>>, vector<16x64xf32>
    %dot_general3A_241 = arith.constant dense<0.000000e+00> : vector<800x64xf32>
    %dot_general3A_242 = tpu.matmul %slice3A_237, %get3A_240, %dot_general3A_241 {dimension_numbers = #tpu.dot_dimension_numbers<[1], [0], [0], [1], [0, 0, 1, 1], [], []>, transpose_lhs_hint = false} : vector<800x16xf32>, vector<16x64xf32>, vector<800x64xf32> -> vector<800x64xf32>
    %add3A_243 = arith.addf %add3A_231, %dot_general3A_242 : vector<800x64xf32>
    %get3A_244 = arith.constant 3 : index
    %get3A_245 = arith.constant 0 : index
    %get3A_246 = arith.constant 0 : index
    %get3A_247 = vector.load %arg1[%get3A_244, %get3A_245, %get3A_246] : memref<4x800x128xf32, #tpu.memory_space<vmem>>, vector<1x800x128xf32>
    %get3A_248 = vector.shape_cast %get3A_247 : vector<1x800x128xf32> to vector<800x128xf32>
    %slice3A_249 = vector.extract_strided_slice %get3A_248 {offsets = [0, 64], sizes = [800, 16], strides = [1, 1]} : vector<800x128xf32> to vector<800x16xf32>
    %get3A_250 = arith.constant 48 : index
    %get3A_251 = arith.constant 0 : index
    %get3A_252 = vector.load %arg2[%get3A_250, %get3A_251] : memref<64x64xf32, #tpu.memory_space<vmem>>, vector<16x64xf32>
    %dot_general3A_253 = arith.constant dense<0.000000e+00> : vector<800x64xf32>
    %dot_general3A_254 = tpu.matmul %slice3A_249, %get3A_252, %dot_general3A_253 {dimension_numbers = #tpu.dot_dimension_numbers<[1], [0], [0], [1], [0, 0, 1, 1], [], []>, transpose_lhs_hint = false} : vector<800x16xf32>, vector<16x64xf32>, vector<800x64xf32> -> vector<800x64xf32>
    %add3A_255 = arith.addf %add3A_243, %dot_general3A_254 : vector<800x64xf32>
    %get3A_256 = arith.constant 0 : index
    %get3A_257 = arith.constant 0 : index
    %get3A_258 = vector.load %arg3[%get3A_256, %get3A_257] : memref<1x64xf32, #tpu.memory_space<vmem>>, vector<1x64xf32>
    %get3A_259 = arith.constant 0 : index
    %get3A_260 = arith.constant 0 : index
    %get3A_261 = arith.constant 0 : index
    %get3A_262 = vector.load %arg1[%get3A_259, %get3A_260, %get3A_261] : memref<4x800x128xf32, #tpu.memory_space<vmem>>, vector<1x800x128xf32>
    %get3A_263 = vector.shape_cast %get3A_262 : vector<1x800x128xf32> to vector<800x128xf32>
    %slice3A_264 = vector.extract_strided_slice %get3A_263 {offsets = [0, 80], sizes = [800, 16], strides = [1, 1]} : vector<800x128xf32> to vector<800x16xf32>
    %get3A_265 = arith.constant 0 : index
    %get3A_266 = arith.constant 0 : index
    %get3A_267 = vector.load %arg2[%get3A_265, %get3A_266] : memref<64x64xf32, #tpu.memory_space<vmem>>, vector<16x64xf32>
    %dot_general3A_268 = arith.constant dense<0.000000e+00> : vector<800x64xf32>
    %dot_general3A_269 = tpu.matmul %slice3A_264, %get3A_267, %dot_general3A_268 {dimension_numbers = #tpu.dot_dimension_numbers<[1], [0], [0], [1], [0, 0, 1, 1], [], []>, transpose_lhs_hint = false} : vector<800x16xf32>, vector<16x64xf32>, vector<800x64xf32> -> vector<800x64xf32>
    %add3A_270 = vector.broadcast %get3A_258 : vector<1x64xf32> to vector<800x64xf32>
    %add3A_271 = arith.addf %add3A_270, %dot_general3A_269 : vector<800x64xf32>
    %get3A_272 = arith.constant 1 : index
    %get3A_273 = arith.constant 0 : index
    %get3A_274 = arith.constant 0 : index
    %get3A_275 = vector.load %arg1[%get3A_272, %get3A_273, %get3A_274] : memref<4x800x128xf32, #tpu.memory_space<vmem>>, vector<1x800x128xf32>
    %get3A_276 = vector.shape_cast %get3A_275 : vector<1x800x128xf32> to vector<800x128xf32>
    %slice3A_277 = vector.extract_strided_slice %get3A_276 {offsets = [0, 80], sizes = [800, 16], strides = [1, 1]} : vector<800x128xf32> to vector<800x16xf32>
    %get3A_278 = arith.constant 16 : index
    %get3A_279 = arith.constant 0 : index
    %get3A_280 = vector.load %arg2[%get3A_278, %get3A_279] : memref<64x64xf32, #tpu.memory_space<vmem>>, vector<16x64xf32>
    %dot_general3A_281 = arith.constant dense<0.000000e+00> : vector<800x64xf32>
    %dot_general3A_282 = tpu.matmul %slice3A_277, %get3A_280, %dot_general3A_281 {dimension_numbers = #tpu.dot_dimension_numbers<[1], [0], [0], [1], [0, 0, 1, 1], [], []>, transpose_lhs_hint = false} : vector<800x16xf32>, vector<16x64xf32>, vector<800x64xf32> -> vector<800x64xf32>
    %add3A_283 = arith.addf %add3A_271, %dot_general3A_282 : vector<800x64xf32>
    %get3A_284 = arith.constant 2 : index
    %get3A_285 = arith.constant 0 : index
    %get3A_286 = arith.constant 0 : index
    %get3A_287 = vector.load %arg1[%get3A_284, %get3A_285, %get3A_286] : memref<4x800x128xf32, #tpu.memory_space<vmem>>, vector<1x800x128xf32>
    %get3A_288 = vector.shape_cast %get3A_287 : vector<1x800x128xf32> to vector<800x128xf32>
    %slice3A_289 = vector.extract_strided_slice %get3A_288 {offsets = [0, 80], sizes = [800, 16], strides = [1, 1]} : vector<800x128xf32> to vector<800x16xf32>
    %get3A_290 = arith.constant 32 : index
    %get3A_291 = arith.constant 0 : index
    %get3A_292 = vector.load %arg2[%get3A_290, %get3A_291] : memref<64x64xf32, #tpu.memory_space<vmem>>, vector<16x64xf32>
    %dot_general3A_293 = arith.constant dense<0.000000e+00> : vector<800x64xf32>
    %dot_general3A_294 = tpu.matmul %slice3A_289, %get3A_292, %dot_general3A_293 {dimension_numbers = #tpu.dot_dimension_numbers<[1], [0], [0], [1], [0, 0, 1, 1], [], []>, transpose_lhs_hint = false} : vector<800x16xf32>, vector<16x64xf32>, vector<800x64xf32> -> vector<800x64xf32>
    %add3A_295 = arith.addf %add3A_283, %dot_general3A_294 : vector<800x64xf32>
    %get3A_296 = arith.constant 3 : index
    %get3A_297 = arith.constant 0 : index
    %get3A_298 = arith.constant 0 : index
    %get3A_299 = vector.load %arg1[%get3A_296, %get3A_297, %get3A_298] : memref<4x800x128xf32, #tpu.memory_space<vmem>>, vector<1x800x128xf32>
    %get3A_300 = vector.shape_cast %get3A_299 : vector<1x800x128xf32> to vector<800x128xf32>
    %slice3A_301 = vector.extract_strided_slice %get3A_300 {offsets = [0, 80], sizes = [800, 16], strides = [1, 1]} : vector<800x128xf32> to vector<800x16xf32>
    %get3A_302 = arith.constant 48 : index
    %get3A_303 = arith.constant 0 : index
    %get3A_304 = vector.load %arg2[%get3A_302, %get3A_303] : memref<64x64xf32, #tpu.memory_space<vmem>>, vector<16x64xf32>
    %dot_general3A_305 = arith.constant dense<0.000000e+00> : vector<800x64xf32>
    %dot_general3A_306 = tpu.matmul %slice3A_301, %get3A_304, %dot_general3A_305 {dimension_numbers = #tpu.dot_dimension_numbers<[1], [0], [0], [1], [0, 0, 1, 1], [], []>, transpose_lhs_hint = false} : vector<800x16xf32>, vector<16x64xf32>, vector<800x64xf32> -> vector<800x64xf32>
    %add3A_307 = arith.addf %add3A_295, %dot_general3A_306 : vector<800x64xf32>
    %get3A_308 = arith.constant 0 : index
    %get3A_309 = arith.constant 0 : index
    %get3A_310 = vector.load %arg3[%get3A_308, %get3A_309] : memref<1x64xf32, #tpu.memory_space<vmem>>, vector<1x64xf32>
    %get3A_311 = arith.constant 0 : index
    %get3A_312 = arith.constant 0 : index
    %get3A_313 = arith.constant 0 : index
    %get3A_314 = vector.load %arg1[%get3A_311, %get3A_312, %get3A_313] : memref<4x800x128xf32, #tpu.memory_space<vmem>>, vector<1x800x128xf32>
    %get3A_315 = vector.shape_cast %get3A_314 : vector<1x800x128xf32> to vector<800x128xf32>
    %slice3A_316 = vector.extract_strided_slice %get3A_315 {offsets = [0, 96], sizes = [800, 16], strides = [1, 1]} : vector<800x128xf32> to vector<800x16xf32>
    %get3A_317 = arith.constant 0 : index
    %get3A_318 = arith.constant 0 : index
    %get3A_319 = vector.load %arg2[%get3A_317, %get3A_318] : memref<64x64xf32, #tpu.memory_space<vmem>>, vector<16x64xf32>
    %dot_general3A_320 = arith.constant dense<0.000000e+00> : vector<800x64xf32>
    %dot_general3A_321 = tpu.matmul %slice3A_316, %get3A_319, %dot_general3A_320 {dimension_numbers = #tpu.dot_dimension_numbers<[1], [0], [0], [1], [0, 0, 1, 1], [], []>, transpose_lhs_hint = false} : vector<800x16xf32>, vector<16x64xf32>, vector<800x64xf32> -> vector<800x64xf32>
    %add3A_322 = vector.broadcast %get3A_310 : vector<1x64xf32> to vector<800x64xf32>
    %add3A_323 = arith.addf %add3A_322, %dot_general3A_321 : vector<800x64xf32>
    %get3A_324 = arith.constant 1 : index
    %get3A_325 = arith.constant 0 : index
    %get3A_326 = arith.constant 0 : index
    %get3A_327 = vector.load %arg1[%get3A_324, %get3A_325, %get3A_326] : memref<4x800x128xf32, #tpu.memory_space<vmem>>, vector<1x800x128xf32>
    %get3A_328 = vector.shape_cast %get3A_327 : vector<1x800x128xf32> to vector<800x128xf32>
    %slice3A_329 = vector.extract_strided_slice %get3A_328 {offsets = [0, 96], sizes = [800, 16], strides = [1, 1]} : vector<800x128xf32> to vector<800x16xf32>
    %get3A_330 = arith.constant 16 : index
    %get3A_331 = arith.constant 0 : index
    %get3A_332 = vector.load %arg2[%get3A_330, %get3A_331] : memref<64x64xf32, #tpu.memory_space<vmem>>, vector<16x64xf32>
    %dot_general3A_333 = arith.constant dense<0.000000e+00> : vector<800x64xf32>
    %dot_general3A_334 = tpu.matmul %slice3A_329, %get3A_332, %dot_general3A_333 {dimension_numbers = #tpu.dot_dimension_numbers<[1], [0], [0], [1], [0, 0, 1, 1], [], []>, transpose_lhs_hint = false} : vector<800x16xf32>, vector<16x64xf32>, vector<800x64xf32> -> vector<800x64xf32>
    %add3A_335 = arith.addf %add3A_323, %dot_general3A_334 : vector<800x64xf32>
    %get3A_336 = arith.constant 2 : index
    %get3A_337 = arith.constant 0 : index
    %get3A_338 = arith.constant 0 : index
    %get3A_339 = vector.load %arg1[%get3A_336, %get3A_337, %get3A_338] : memref<4x800x128xf32, #tpu.memory_space<vmem>>, vector<1x800x128xf32>
    %get3A_340 = vector.shape_cast %get3A_339 : vector<1x800x128xf32> to vector<800x128xf32>
    %slice3A_341 = vector.extract_strided_slice %get3A_340 {offsets = [0, 96], sizes = [800, 16], strides = [1, 1]} : vector<800x128xf32> to vector<800x16xf32>
    %get3A_342 = arith.constant 32 : index
    %get3A_343 = arith.constant 0 : index
    %get3A_344 = vector.load %arg2[%get3A_342, %get3A_343] : memref<64x64xf32, #tpu.memory_space<vmem>>, vector<16x64xf32>
    %dot_general3A_345 = arith.constant dense<0.000000e+00> : vector<800x64xf32>
    %dot_general3A_346 = tpu.matmul %slice3A_341, %get3A_344, %dot_general3A_345 {dimension_numbers = #tpu.dot_dimension_numbers<[1], [0], [0], [1], [0, 0, 1, 1], [], []>, transpose_lhs_hint = false} : vector<800x16xf32>, vector<16x64xf32>, vector<800x64xf32> -> vector<800x64xf32>
    %add3A_347 = arith.addf %add3A_335, %dot_general3A_346 : vector<800x64xf32>
    %get3A_348 = arith.constant 3 : index
    %get3A_349 = arith.constant 0 : index
    %get3A_350 = arith.constant 0 : index
    %get3A_351 = vector.load %arg1[%get3A_348, %get3A_349, %get3A_350] : memref<4x800x128xf32, #tpu.memory_space<vmem>>, vector<1x800x128xf32>
    %get3A_352 = vector.shape_cast %get3A_351 : vector<1x800x128xf32> to vector<800x128xf32>
    %slice3A_353 = vector.extract_strided_slice %get3A_352 {offsets = [0, 96], sizes = [800, 16], strides = [1, 1]} : vector<800x128xf32> to vector<800x16xf32>
    %get3A_354 = arith.constant 48 : index
    %get3A_355 = arith.constant 0 : index
    %get3A_356 = vector.load %arg2[%get3A_354, %get3A_355] : memref<64x64xf32, #tpu.memory_space<vmem>>, vector<16x64xf32>
    %dot_general3A_357 = arith.constant dense<0.000000e+00> : vector<800x64xf32>
    %dot_general3A_358 = tpu.matmul %slice3A_353, %get3A_356, %dot_general3A_357 {dimension_numbers = #tpu.dot_dimension_numbers<[1], [0], [0], [1], [0, 0, 1, 1], [], []>, transpose_lhs_hint = false} : vector<800x16xf32>, vector<16x64xf32>, vector<800x64xf32> -> vector<800x64xf32>
    %add3A_359 = arith.addf %add3A_347, %dot_general3A_358 : vector<800x64xf32>
    %get3A_360 = arith.constant 0 : index
    %get3A_361 = arith.constant 0 : index
    %get3A_362 = vector.load %arg3[%get3A_360, %get3A_361] : memref<1x64xf32, #tpu.memory_space<vmem>>, vector<1x64xf32>
    %get3A_363 = arith.constant 0 : index
    %get3A_364 = arith.constant 0 : index
    %get3A_365 = arith.constant 0 : index
    %get3A_366 = vector.load %arg1[%get3A_363, %get3A_364, %get3A_365] : memref<4x800x128xf32, #tpu.memory_space<vmem>>, vector<1x800x128xf32>
    %get3A_367 = vector.shape_cast %get3A_366 : vector<1x800x128xf32> to vector<800x128xf32>
    %slice3A_368 = vector.extract_strided_slice %get3A_367 {offsets = [0, 112], sizes = [800, 16], strides = [1, 1]} : vector<800x128xf32> to vector<800x16xf32>
    %get3A_369 = arith.constant 0 : index
    %get3A_370 = arith.constant 0 : index
    %get3A_371 = vector.load %arg2[%get3A_369, %get3A_370] : memref<64x64xf32, #tpu.memory_space<vmem>>, vector<16x64xf32>
    %dot_general3A_372 = arith.constant dense<0.000000e+00> : vector<800x64xf32>
    %dot_general3A_373 = tpu.matmul %slice3A_368, %get3A_371, %dot_general3A_372 {dimension_numbers = #tpu.dot_dimension_numbers<[1], [0], [0], [1], [0, 0, 1, 1], [], []>, transpose_lhs_hint = false} : vector<800x16xf32>, vector<16x64xf32>, vector<800x64xf32> -> vector<800x64xf32>
    %add3A_374 = vector.broadcast %get3A_362 : vector<1x64xf32> to vector<800x64xf32>
    %add3A_375 = arith.addf %add3A_374, %dot_general3A_373 : vector<800x64xf32>
    %get3A_376 = arith.constant 1 : index
    %get3A_377 = arith.constant 0 : index
    %get3A_378 = arith.constant 0 : index
    %get3A_379 = vector.load %arg1[%get3A_376, %get3A_377, %get3A_378] : memref<4x800x128xf32, #tpu.memory_space<vmem>>, vector<1x800x128xf32>
    %get3A_380 = vector.shape_cast %get3A_379 : vector<1x800x128xf32> to vector<800x128xf32>
    %slice3A_381 = vector.extract_strided_slice %get3A_380 {offsets = [0, 112], sizes = [800, 16], strides = [1, 1]} : vector<800x128xf32> to vector<800x16xf32>
    %get3A_382 = arith.constant 16 : index
    %get3A_383 = arith.constant 0 : index
    %get3A_384 = vector.load %arg2[%get3A_382, %get3A_383] : memref<64x64xf32, #tpu.memory_space<vmem>>, vector<16x64xf32>
    %dot_general3A_385 = arith.constant dense<0.000000e+00> : vector<800x64xf32>
    %dot_general3A_386 = tpu.matmul %slice3A_381, %get3A_384, %dot_general3A_385 {dimension_numbers = #tpu.dot_dimension_numbers<[1], [0], [0], [1], [0, 0, 1, 1], [], []>, transpose_lhs_hint = false} : vector<800x16xf32>, vector<16x64xf32>, vector<800x64xf32> -> vector<800x64xf32>
    %add3A_387 = arith.addf %add3A_375, %dot_general3A_386 : vector<800x64xf32>
    %get3A_388 = arith.constant 2 : index
    %get3A_389 = arith.constant 0 : index
    %get3A_390 = arith.constant 0 : index
    %get3A_391 = vector.load %arg1[%get3A_388, %get3A_389, %get3A_390] : memref<4x800x128xf32, #tpu.memory_space<vmem>>, vector<1x800x128xf32>
    %get3A_392 = vector.shape_cast %get3A_391 : vector<1x800x128xf32> to vector<800x128xf32>
    %slice3A_393 = vector.extract_strided_slice %get3A_392 {offsets = [0, 112], sizes = [800, 16], strides = [1, 1]} : vector<800x128xf32> to vector<800x16xf32>
    %get3A_394 = arith.constant 32 : index
    %get3A_395 = arith.constant 0 : index
    %get3A_396 = vector.load %arg2[%get3A_394, %get3A_395] : memref<64x64xf32, #tpu.memory_space<vmem>>, vector<16x64xf32>
    %dot_general3A_397 = arith.constant dense<0.000000e+00> : vector<800x64xf32>
    %dot_general3A_398 = tpu.matmul %slice3A_393, %get3A_396, %dot_general3A_397 {dimension_numbers = #tpu.dot_dimension_numbers<[1], [0], [0], [1], [0, 0, 1, 1], [], []>, transpose_lhs_hint = false} : vector<800x16xf32>, vector<16x64xf32>, vector<800x64xf32> -> vector<800x64xf32>
    %add3A_399 = arith.addf %add3A_387, %dot_general3A_398 : vector<800x64xf32>
    %get3A_400 = arith.constant 3 : index
    %get3A_401 = arith.constant 0 : index
    %get3A_402 = arith.constant 0 : index
    %get3A_403 = vector.load %arg1[%get3A_400, %get3A_401, %get3A_402] : memref<4x800x128xf32, #tpu.memory_space<vmem>>, vector<1x800x128xf32>
    %get3A_404 = vector.shape_cast %get3A_403 : vector<1x800x128xf32> to vector<800x128xf32>
    %slice3A_405 = vector.extract_strided_slice %get3A_404 {offsets = [0, 112], sizes = [800, 16], strides = [1, 1]} : vector<800x128xf32> to vector<800x16xf32>
    %get3A_406 = arith.constant 48 : index
    %get3A_407 = arith.constant 0 : index
    %get3A_408 = vector.load %arg2[%get3A_406, %get3A_407] : memref<64x64xf32, #tpu.memory_space<vmem>>, vector<16x64xf32>
    %dot_general3A_409 = arith.constant dense<0.000000e+00> : vector<800x64xf32>
    %dot_general3A_410 = tpu.matmul %slice3A_405, %get3A_408, %dot_general3A_409 {dimension_numbers = #tpu.dot_dimension_numbers<[1], [0], [0], [1], [0, 0, 1, 1], [], []>, transpose_lhs_hint = false} : vector<800x16xf32>, vector<16x64xf32>, vector<800x64xf32> -> vector<800x64xf32>
    %add3A_411 = arith.addf %add3A_399, %dot_general3A_410 : vector<800x64xf32>
    %concatenate3A = tpu.concatenate %add3A_47, %add3A_99, %add3A_151, %add3A_203, %add3A_255, %add3A_307, %add3A_359, %add3A_411 in 1 : vector<800x64xf32>, vector<800x64xf32>, vector<800x64xf32>, vector<800x64xf32>, vector<800x64xf32>, vector<800x64xf32>, vector<800x64xf32>, vector<800x64xf32> -> vector<800x512xf32>
    %swap3A = arith.constant 0 : index
    %swap3A_412 = arith.constant 0 : index
    %swap3A_413 = vector.load %arg4[%swap3A, %swap3A_412] : memref<800x512xf32, #tpu.memory_space<vmem>>, vector<800x512xf32>
    tpu.vector_store %arg4[%swap3A, %swap3A_412], %concatenate3A {strides = array<i32>} : memref<800x512xf32, #tpu.memory_space<vmem>>, vector<800x512xf32>,
    return
  }
  func.func @transform_0(%arg0: i32) -> (i32, i32, i32) {
    %c0_i32 = arith.constant 0 : i32
    %c0_i32_0 = arith.constant 0 : i32
    %c0_i32_1 = arith.constant 0 : i32
    return %c0_i32, %arg0, %c0_i32_0 : i32, i32, i32
  }
  func.func @transform_1(%arg0: i32) -> (i32, i32) {
    %c0_i32 = arith.constant 0 : i32
    %c0_i32_0 = arith.constant 0 : i32
    %c0_i32_1 = arith.constant 0 : i32
    return %c0_i32, %c0_i32_0 : i32, i32
  }
  func.func @transform_2(%arg0: i32) -> (i32, i32) {
    %c0_i32 = arith.constant 0 : i32
    %c0_i32_0 = arith.constant 0 : i32
    %c0_i32_1 = arith.constant 0 : i32
    return %c0_i32, %c0_i32_0 : i32, i32
  }
  func.func @transform_3(%arg0: i32) -> (i32, i32) {
    %c0_i32 = arith.constant 0 : i32
    %c0_i32_0 = arith.constant 0 : i32
    return %arg0, %c0_i32 : i32, i32
  }
}

</mosaic_0001>

<sc_bundles>
// kernel: kernel.10.cloned.1.call-start
scs
__scs_entry_jumppad:
0x0: {  	(pc) =	sbr.rel $0x88, $3  }
0x1: {  	(tag) =	ssettag $0x0;
	lr =	simm.s32 $0x1  }
0x2: {  	[smem:$0x3F94] =	sst lr;
	_ =	strace $0xD0000000  }
0x3: {  	_ = 	snop  }
0x4: {  	_ = 	snop  }
0x5: {  	_ = 	snop  }
0x6: {  	_ = 	snop  }
0x7: {  	_ = 	snop  }
__scs_overlays_trampoline_lowered:
0x8: {  	[smem:$0x3FA3] =	sst s0  }
0x9: {  	[smem:$0x3FA4] =	sst s1  }
0xa: {  	[smem:$0x3FA5] =	sst s2  }
0xb: {  	[smem:$0x3FA6] =	sst s3  }
0xc: {  	[smem:$0x3FA7] =	sst s4  }
0xd: {  	[smem:$0x3FA8] =	sst s5  }
0xe: {  	[smem:$0x3FA9] =	sst s6  }
0xf: {  	[smem:$0x3FAA] =	sst s7  }
0x10: {  	[smem:$0x3FAB] =	sst s8  }
0x11: {  	[smem:$0x3FAC] =	sst s9;
	s0 =	simm.s32 @!p0 $0x0  }
0x12: {  	s1 =	sld [smem:$0x3F92];
	s0 =	simm.s32 @p0 $0x1  }
0x13: {  	[smem:$0x3FAD] =	sst s0;
	s0 =	simm.s32 @!p1 $0x0  }
0x14: {  	s2 =	sld [smem:$0x3F91];
	s0 =	simm.s32 @p1 $0x1  }
0x15: {  	[smem:$0x3FAE] =	sst s0;
	s0 =	simm.s32 @!p2 $0x0  }
0x16: {  	s3 =	sld [smem:$0x3FDB];
	s0 =	simm.s32 @p2 $0x1  }
0x17: {  	s4 =	simm.s32 $0x1BF5;
	[smem:$0x3FB0] =	sst s0  }
0x18: {  	s0 =	sld [smem:$0x3F93];
	_ =	swait.ge [sflag:s4], $0x0  }
0x19: {  	s7 =	sld [smem:$0x3F94]  }
0x1a: {  	s8 =	sadd.s32 $0xFFFFE003, lr  }
0x1b: {  	s9 =	sadd.s32 $0xFFFFFEF7, lr;
	s5 =	simm.s32 $0xFFFFFFFF;
	p2 =	slt.u32 s8, $0xFFFFF086  }
0x1c: {  	p1 =	slt.u32 s9, $0xF7A;
	s5 =	simm.s32 @!p2 $0x0  }
0x1d: {  	s5 =	simm.s32 @p1 $0x1;
	p0 =	seq.s32 s7, s2  }
0x1e: {  	s7 =	smul.u32 @!p0 $0xF7A, s2;
	p2 =	seq.s32 @!p0 s5, $0x0  }
0x1f: {  	s9 =	smul.u32 $0xF7A, s1;
	s8 =	simm.s32 @!p0 $0x1BF5;
	p2 =	por !p2, p0  }
0x20: {  	[sflag:s8] =	ssyncset.s32 @!p0 $0xFFFFF086;
	s6 =	sadd.s32 @!p0 s3, s7;
	s7 =	simm.s32 @!p0 $0x108  }
0x21: {  	s3 =	sadd.s32 s3, s9;
	s6 =	sadd.s32 @!p0 $0x88, s6;
	s7 =	simm.s32 @p2 $0x1082  }
0x22: {  	[simem:s7], [sflag:s8] =	dma.local @!p0 [hbm:s6], $0xF7A  }
0x23: {  	s9 =	sor.u32 $0xD0000000, s2;
	s6 =	simm.s32 $0x108;
	_ =	swait.ge @!p0 [sflag:s8], $0x0  }
0x24: {  	s3 =	sadd.s32 $0x88, s3;
	s6 =	simm.s32 @!p1 $0x1082;
	[sflag:s4] =	ssyncset.s32 $0xFFFFF086  }
0x25: {  	[simem:s6], [sflag:s4] =	dma.local [hbm:s3], $0xF7A  }
0x26: {  	[smem:$0x3F94] =	sst s1;
	(tag) =	ssettag s2;
	_ =	strace s9  }
0x27: {  	s1 =	sld [smem:$0x3FA4]  }
0x28: {  	s2 =	sld [smem:$0x3FA5]  }
0x29: {  	s4 =	sld [smem:$0x3FA7]  }
0x2a: {  	p0 =	seq.s32 s5, $0x0;
	s5 =	sld [smem:$0x3FA8]  }
0x2b: {  	s6 =	sld [smem:$0x3FA9]  }
0x2c: {  	s7 =	sld [smem:$0x3FAA]  }
0x2d: {  	s3 =	simm.s32 $0x108;
	s8 =	sld [smem:$0x3FAB]  }
0x2e: {  	s3 =	simm.s32 @!p0 $0x1082;
	s9 =	sld [smem:$0x3FAC]  }
0x2f: {  	lr =	sadd.s32 s0, s3;
	s0 =	sld [smem:$0x3FA3]  }
0x30: {  	s3 =	sld [smem:$0x3FA6]  }
0x31: {  	[smem:$0x3FAF] =	sst s10  }
0x32: {  	s10 =	sld [smem:$0x3FAD];
	_ =	sdelay $0x3  }
0x33: {  	p0 =	seq.s32 s10, $0x1;
	s10 =	sld [smem:$0x3FAF];
	_ =	sdelay $0x3  }
0x34: {  	[smem:$0x3FAF] =	sst s10  }
0x35: {  	s10 =	sld [smem:$0x3FAE];
	_ =	sdelay $0x3  }
0x36: {  	p1 =	seq.s32 s10, $0x1;
	s10 =	sld [smem:$0x3FAF];
	_ =	sdelay $0x3  }
0x37: {  	[smem:$0x3FAF] =	sst s10  }
0x38: {  	s10 =	sld [smem:$0x3FB0]  }
0x39: {  	_ = 	snop;
	(pc) =	sbr.ind lr, $3  }
0x3a: {  	_ = 	snop  }
0x3b: {  	_ = 	snop  }
0x3c: {  	p2 =	seq.s32 s10, $0x1;
	s10 =	sld [smem:$0x3FAF]  }
0x3d: {  	_ =	shalt  }
0x3e: {  	_ =	shalt  }
0x3f: {  	_ =	shalt  }
0x40: {  	_ =	shalt  }
0x41: {  	_ =	shalt  }
0x42: {  	_ =	shalt  }
0x43: {  	_ =	shalt  }
0x44: {  	_ =	shalt  }
0x45: {  	_ =	shalt  }
0x46: {  	_ =	shalt  }
0x47: {  	_ =	shalt  }
0x48: {  	_ =	shalt  }
0x49: {  	_ =	shalt  }
0x4a: {  	_ =	shalt  }
0x4b: {  	_ =	shalt  }
0x4c: {  	_ =	shalt  }
0x4d: {  	_ =	shalt  }
0x4e: {  	_ =	shalt  }
0x4f: {  	_ =	shalt  }
0x50: {  	_ =	shalt  }
0x51: {  	_ =	shalt  }
0x52: {  	_ =	shalt  }
0x53: {  	_ =	shalt  }
0x54: {  	_ =	shalt  }
0x55: {  	_ =	shalt  }
0x56: {  	_ =	shalt  }
0x57: {  	_ =	shalt  }
0x58: {  	_ =	shalt  }
0x59: {  	_ =	shalt  }
0x5a: {  	_ =	shalt  }
0x5b: {  	_ =	shalt  }
0x5c: {  	_ =	shalt  }
0x5d: {  	_ =	shalt  }
0x5e: {  	_ =	shalt  }
0x5f: {  	_ =	shalt  }
0x60: {  	_ =	shalt  }
0x61: {  	_ =	shalt  }
0x62: {  	_ =	shalt  }
0x63: {  	_ =	shalt  }
0x64: {  	_ =	shalt  }
0x65: {  	_ =	shalt  }
0x66: {  	_ =	shalt  }
0x67: {  	_ =	shalt  }
0x68: {  	_ =	shalt  }
0x69: {  	_ =	shalt  }
0x6a: {  	_ =	shalt  }
0x6b: {  	_ =	shalt  }
0x6c: {  	_ =	shalt  }
0x6d: {  	_ =	shalt  }
0x6e: {  	_ =	shalt  }
0x6f: {  	_ =	shalt  }
0x70: {  	_ =	shalt  }
0x71: {  	_ =	shalt  }
0x72: {  	_ =	shalt  }
0x73: {  	_ =	shalt  }
0x74: {  	_ =	shalt  }
0x75: {  	_ =	shalt  }
0x76: {  	_ =	shalt  }
0x77: {  	_ =	shalt  }
0x78: {  	_ =	shalt  }
0x79: {  	_ =	shalt  }
0x7a: {  	_ =	shalt  }
0x7b: {  	_ =	shalt  }
0x7c: {  	_ =	shalt  }
0x7d: {  	_ =	shalt  }
0x7e: {  	_ =	shalt  }
0x7f: {  	_ =	shalt  }
0x80: {  	_ =	shalt  }
0x81: {  	_ =	shalt  }
0x82: {  	_ =	shalt  }
0x83: {  	_ =	shalt  }
0x84: {  	_ =	shalt  }
0x85: {  	_ =	shalt  }
0x86: {  	_ =	shalt  }
0x87: {  	_ =	shalt  }
.Lfunc_end0:
.L_simem_size_0:
called_computation.1_lowered:
.L_overlay_start_0:
0x88: {  	s2 =	sld [smem:$0x3FD9]  }
0x89: {  	s3 =	sld [smem:$0x3FFE];
	_ =	sdelay $0x1  }
0x8a: {  	s1 =	srdreg.scid  }
0x8b: {  	s0 =	sand.u32 $0x1, s1  }
0x8c: {  	s17 =	sshll.u32 s0, $0xA;
	s2 =	sadd.s32 s3, s2  }
0x8d: {  	s2 =	sadd.s32 s2, s17  }
0x8e: {  	[smem:$0x3FBB] =	sst s2  }
0x8f: {  	_ = 	snop  }
0x90: {  	s2 =	sld [smem:$0x3FD0];
	(tm) =	ssettm $0x1  }
0x91: {  	s18 =	sld [smem:$0x3FFB];
	_ =	sdelay $0x3  }
0x92: {  	_ =	strace s18  }
0x93: {  	s3 =	sld [smem:$0x3FFC];
	_ =	sdelay $0x3  }
0x94: {  	_ =	strace s3  }
0x95: {  	s3 =	sld [smem:$0x3FFD];
	_ =	sdelay $0x3  }
0x96: {  	_ =	strace s3  }
0x97: {  	_ =	strace $0x8FFFFFFF  }
0x98: {  	s19 =	sld [smem:$0x3FDB];
	_ =	sdelay $0x1  }
0x99: {  	s4 =	simm.s32 $_scs_section_size  }
0x9a: {  	s5 =	simm.s32 $_size__tile_overlayer_lowered;
	s6 =	simm.s32 $_tile_overlayer_lowered  }
0x9b: {  	s22 =	simm.s32 $0x1BFF;
	s21 =	sshll.u32 s6, $0x1;
	s3 =	sadd.s32 s4, s19  }
0x9c: {  	s7 =	simm.s32 $0x0;
	s20 =	sshll.u32 s5, $0x1;
	s5 =	sadd.s32 s21, s3  }
0x9d: {  	[timem:s7], [sflag:s22] =	dma.local [hbm:s5], s20  }
0x9e: {  	_ =	swait.ge [sflag:s22], s20  }
0x9f: {  	s4 =	ssub.s32 $0x0, s20;
	[sflag:s22] =	ssyncset.done $0x0  }
0xa0: {  	[sflag:s22] =	ssyncadd.s32 s4;
	_ =	sdelay $0x1  }
0xa1: {  	s23 =	simm.s32 $0x1B8B  }
0xa2: {  	_ =	swait.ge [sflag:s23], $0x1  }
0xa3: {  	[sflag:s23] =	ssyncset.done $0x0  }
0xa4: {  	s25 =	simm.s32 $0x1B8E;
	s24 =	sld [smem:$0x3FFE];
	[sflag:s23] =	ssyncadd.s32 $0xFFFFFFFF  }
0xa5: {  	s26 =	simm.s32 $execute0_lowered;
	[smem:$0x3FD2] =	sst s25  }
0xa6: {  	s5 =	sshll.u32 s26, $0x1;
	_ =	strace $0x80000049;
	[dreg:$0x1] =	wrdreg $0xFFFFFFFF  }
0xa7: {  	s28 =	simm.s32 $_size_execute0_lowered;
	s3 =	sadd.s32 s3, s5;
	[dreg:$0x0] =	wrdreg $0x0  }
0xa8: {  	s5 =	sshll.u32 s28, $0x1;
	[dreg:$0x2] =	wrdreg s3  }
0xa9: {  	[dreg:$0x3] =	wrdreg s5  }
0xaa: {  	[dreg:$0x4] =	wrdreg $0xC0  }
0xab: {  	_ =	task [dreg:s7], $0x5FFFF  }
0xac: {  	[dreg:$0x1] =	wrdreg $0xFFFFFFFF  }
0xad: {  	[dreg:$0x0] =	wrdreg $0x60  }
0xae: {  	[dreg:$0x2] =	wrdreg s24  }
0xaf: {  	[dreg:$0x3] =	wrdreg s2  }
0xb0: {  	[dreg:$0x4] =	wrdreg $0x6A400  }
0xb1: {  	[dreg:$0x5] =	wrdreg $0x9  }
0xb2: {  	_ =	task.clear_ibuf [dreg:s7], $0x6FFFF;
	_ =	strace $0x90000049  }
0xb3: {  	s29 =	simm.s32 $0x9;
	_ =	strace $0x8000004B  }
0xb4: {  	_ =	swait.ge [sflag:s29], $0x1  }
0xb5: {  	[sflag:s29] =	ssyncadd.s32 $0xFFFFFFFF  }
0xb6: {  	_ =	strace $0x9000004B  }
0xb7: {  	_ =	sfence  }
0xb8: {  	s30 =	sld [smem:$0x0];
	_ =	sdelay $0x2  }
0xb9: {  	s31 =	sshll.u32 s1, $0xD;
	s1 =	sshrl.u32 s1, $0x2  }
0xba: {  	s3 =	sand.u32 $0x4000, s31;
	s1 =	sadd.s32 s1, s30  }
0xbb: {  	s0 =	sor.u32 s3, s0;
	s1 =	sshll.u32 s1, $0x11  }
0xbc: {  	s0 =	sor.u32 s1, s0  }
0xbd: {  	s0 =	sadd.s32 $0x8F2B, s0  }
0xbe: {  	[sflag:s0] =	ssyncadd.remote.s32 $0x1  }
0xbf: {  	_ =	sfence.sel $0xFFFF  }
0xc0: {  	[dreg:$0x0] =	wrdreg $0xFFFFFFFF;
	(pc) =	sbr.abs _section_cstart, $3  }
0xc1: {  	[dreg:$0x1] =	wrdreg $0xFFFFFFFF  }
0xc2: {  	_ =	task.clear_ibuf [dreg:s7], $0x2FFFF;
	_ =	strace $0x9FFFFFFF  }
0xc3: {  	(tm) =	ssettm $0x7FFFFFFF  }
tec
execute0_lowered:
.L_overlay_start_1:
0x0: {  	(tag) =	ssettag $0x1  }
0x1: {  	s0 =	rddreg [dreg:$0x0]  }
0x2: {  	s1 =	rddreg [dreg:$0x1]  }
0x3: {  	s2 =	rddreg [dreg:$0x2];
	s13 =	stileid.u32  }
0x4: {  	s3 =	simm.s32 $0x0;
	s5 =	srdreg.scid;
	s15 =	simm.s32 $0x50  }
0x5: {  	s28 =	simm.s32 $0x370;
	s14 =	simm.s32 $0x3C0;
	s16 =	simm.s32 $0x5640  }
0x6: {  	s17 =	simm.s32 $0x550;
	s30 =	simm.s32 $0x0;
	s4 =	smul.u32 $0x186A0, s13  }
0x7: {  	[smem:$0x7FF] =	sst s3;
	s5 =	sand.u32 $0x1, s5;
	s12 =	smul.u32 $0x30D400, s13  }
0x8: {  	s7 =	sadd.s32 $0x209F800, s0;
	s19 =	sshll.u32 s13, $0x6;
	s23 =	smul.u32 $0x61A8, s13  }
0x9: {  	s13 =	simm.s32 $0x1;
	_ =	strace $0x8000004A;
	s10 =	smul.u32 $0x61A8000, s5  }
0xa: {  	s8 =	ssub.s32 $0x2, s5;
	s18 =	smul.u32 $0x320000, s5;
	s5 =	sshllo.u32 s5, $0x1  }
0xb: {  	s29 =	sor.u32 $0x1C01, s19;
	s19 =	simm.s32 $0x5A0;
	s6 =	sshrl.u32 s4, $0x3  }
0xc: {  	s9 =	sshrl.u32 s8, $0x1;
	s11 =	sadd.s32 s4, s2;
	s5 =	smul.u32 $0x190000, s5  }
0xd: {  	[dreg:$0x6] =	wrdreg s29;
	s6 =	sadd.s32 s6, s0;
	s0 =	sadd.s32 $0x32A00, s0  }
0xe: {  	s8 =	ssub.s32 s8, s9;
	s9 =	sadd.s32 s4, s18;
	s22 =	sadd.s32 s12, s10  }
0xf: {  	s10 =	simm.s32 $0x4C40;
	s12 =	simm.s32 $0x500;
	s18 =	simm.s32 $0x5B40  }
0x10: {  	s6 =	sadd.s32 $0x1C00, s6;
	s20 =	sshrl.u32 s9, $0x3;
	s4 =	sadd.s32 s4, s5  }
0x11: {  	s24 =	sadd.s32 $0x30D4000, s22;
	s25 =	smax.u32 s8, $0x1;
	s5 =	sshrl.u32 s22, $0x3  }
0x12: {  	s9 =	simm.s32 $0x3D40;
	s8 =	simm.s32 $0x4740;
	s22 =	simm.s32 $0x6540  }
0x13: {  	[dreg:$0x5] =	wrdreg s6;
	s21 =	sadd.s32 s0, s20;
	s4 =	sshrl.u32 s4, $0x3  }
0x14: {  	[dreg:$0x9] =	wrdreg s25;
	s26 =	sadd.s32 s5, s7;
	s25 =	simm.s32 $0x320  }
0x15: {  	s6 =	simm.s32 $0x4240;
	s5 =	simm.s32 $0x5140;
	s20 =	simm.s32 $0x6040  }
0x16: {  	[dreg:$0x7] =	wrdreg s21;
	s0 =	sadd.s32 s0, s4;
	s4 =	sshrl.u32 s24, $0x3  }
0x17: {  	[dreg:$0xa] =	wrdreg s26;
	s24 =	simm.s32 $0x3340;
	s26 =	simm.s32 $0x3840  }
0x18: {  	s21 =	simm.s32 $0x5F0;
	[dreg:$0x8] =	wrdreg s0;
	s0 =	sadd.s32 s23, s1  }
0x19: {  	s31 =	sadd.s32 s4, s7;
	s1 =	sshrl.u32 s11, $0x3;
	[dreg:$0x4] =	wrdreg s0  }
0x1a: {  	s23 =	simm.s32 $0x2D0;
	s7 =	simm.s32 $0x410;
	[dreg:$0xb] =	wrdreg s31  }
0x1b: {  	s4 =	simm.s32 $0x460;
	s11 =	simm.s32 $0x4B0;
	[dreg:$0xc] =	wrdreg s1  }
.LBB2_1:
0x1c: {  	[dreg:$0xd] =	wrdreg s30  }
0x1d: {  	s0 =	rddreg [dreg:$0x5]  }
0x1e: {  	[spmem:s1], [sflag:s29] =	dma.local [hbm:s0], $0x30D4  }
0x1f: {  	_ =	swait.ge [sflag:s13], $0x30D4  }
0x20: {  	[sflag:s13] =	ssyncset.done $0x0  }
0x21: {  	[sflag:s13] =	ssyncadd.s32 $0xFFFFCF2C  }
0x22: {  	[bflag:$0x0] =	sbarrier.arrive $0xFFFF  }
0x23: {  	s1 =	rddreg [dreg:$0x4]  }
0x24: {  	s0 =	sadd.s32 $0x0, s1  }
0x25: {  	[tilespmem:s3], [sflag:$0x1] =	stream.linear.gather [hbm4b:s0+s3], $0x640, $0x38;
	[tilespmem:$0x1F0E0] =	vst v63  }
0x26: {  	_ =	swait.ge [sflag:s13], $0x640  }
0x27: {  	[sflag:s13] =	ssyncset.done $0x0  }
0x28: {  	s1 =	simm.s32 $0x640;
	s0 =	rddreg [dreg:$0xa];
	[sflag:s13] =	ssyncadd.s32 $0xFFFFF9C0  }
0x29: {  	[tilespmem:s1], [sflag:$0x1] =	stream.linear.gather [hbm4b:s0+s3], $0x6400, $0x38;
	[tilespmem:$0x1F0E0] =	vst v63  }
0x2a: {  	_ =	swait.ge [sflag:s13], $0x6400  }
0x2b: {  	[sflag:s13] =	ssyncset.done $0x0  }
0x2c: {  	[sflag:s13] =	ssyncadd.s32 $0xFFFF9C00  }
0x2d: {  	[spmem:s2] =	stream.indirect.scatter.add.f32 [tilespmem:s1], [sflag:$0x1], $0x10, s3, s15, $0xb8;
	[tilespmem:$0x1F0E0] =	vst v63  }
0x2e: {  	_ =	swait.ge [sflag:s13], $0x500  }
0x2f: {  	[sflag:s13] =	ssyncset.done $0x0  }
0x30: {  	s1 =	simm.s32 $0xB40;
	[sflag:s13] =	ssyncadd.s32 $0xFFFFFB00  }
0x31: {  	[spmem:s2] =	stream.indirect.scatter.add.f32 [tilespmem:s1], [sflag:$0x1], $0x10, s15, s15, $0xb8;
	[tilespmem:$0x1F0E0] =	vst v63  }
0x32: {  	_ =	swait.ge [sflag:s13], $0x500  }
0x33: {  	[sflag:s13] =	ssyncset.done $0x0  }
0x34: {  	s29 =	simm.s32 $0x1040;
	s1 =	simm.s32 $0xA0;
	[sflag:s13] =	ssyncadd.s32 $0xFFFFFB00  }
0x35: {  	[spmem:s2] =	stream.indirect.scatter.add.f32 [tilespmem:s29], [sflag:$0x1], $0x10, s1, s15, $0xb8;
	[tilespmem:$0x1F0E0] =	vst v63  }
0x36: {  	_ =	swait.ge [sflag:s13], $0x500  }
0x37: {  	[sflag:s13] =	ssyncset.done $0x0  }
0x38: {  	s1 =	simm.s32 $0xF0;
	s29 =	simm.s32 $0x1540;
	[sflag:s13] =	ssyncadd.s32 $0xFFFFFB00  }
0x39: {  	[spmem:s2] =	stream.indirect.scatter.add.f32 [tilespmem:s29], [sflag:$0x1], $0x10, s1, s15, $0xb8;
	[tilespmem:$0x1F0E0] =	vst v63  }
0x3a: {  	_ =	swait.ge [sflag:s13], $0x500  }
0x3b: {  	[sflag:s13] =	ssyncset.done $0x0  }
0x3c: {  	s1 =	simm.s32 $0x140;
	s29 =	simm.s32 $0x1A40;
	[sflag:s13] =	ssyncadd.s32 $0xFFFFFB00  }
0x3d: {  	[spmem:s2] =	stream.indirect.scatter.add.f32 [tilespmem:s29], [sflag:$0x1], $0x10, s1, s15, $0xb8;
	[tilespmem:$0x1F0E0] =	vst v63  }
0x3e: {  	_ =	swait.ge [sflag:s13], $0x500  }
0x3f: {  	[sflag:s13] =	ssyncset.done $0x0  }
0x40: {  	s1 =	simm.s32 $0x190;
	s29 =	simm.s32 $0x1F40;
	[sflag:s13] =	ssyncadd.s32 $0xFFFFFB00  }
0x41: {  	[spmem:s2] =	stream.indirect.scatter.add.f32 [tilespmem:s29], [sflag:$0x1], $0x10, s1, s15, $0xb8;
	[tilespmem:$0x1F0E0] =	vst v63  }
0x42: {  	_ =	swait.ge [sflag:s13], $0x500  }
0x43: {  	[sflag:s13] =	ssyncset.done $0x0  }
0x44: {  	s1 =	simm.s32 $0x1E0;
	s29 =	simm.s32 $0x2440;
	[sflag:s13] =	ssyncadd.s32 $0xFFFFFB00  }
0x45: {  	[spmem:s2] =	stream.indirect.scatter.add.f32 [tilespmem:s29], [sflag:$0x1], $0x10, s1, s15, $0xb8;
	[tilespmem:$0x1F0E0] =	vst v63  }
0x46: {  	_ =	swait.ge [sflag:s13], $0x500  }
0x47: {  	[sflag:s13] =	ssyncset.done $0x0  }
0x48: {  	s1 =	simm.s32 $0x230;
	s29 =	simm.s32 $0x2940;
	[sflag:s13] =	ssyncadd.s32 $0xFFFFFB00  }
0x49: {  	[spmem:s2] =	stream.indirect.scatter.add.f32 [tilespmem:s29], [sflag:$0x1], $0x10, s1, s15, $0xb8;
	[tilespmem:$0x1F0E0] =	vst v63  }
0x4a: {  	_ =	swait.ge [sflag:s13], $0x500  }
0x4b: {  	[sflag:s13] =	ssyncset.done $0x0  }
0x4c: {  	s1 =	simm.s32 $0x280;
	s29 =	simm.s32 $0x2E40;
	[sflag:s13] =	ssyncadd.s32 $0xFFFFFB00  }
0x4d: {  	[spmem:s2] =	stream.indirect.scatter.add.f32 [tilespmem:s29], [sflag:$0x1], $0x10, s1, s15, $0xb8;
	[tilespmem:$0x1F0E0] =	vst v63  }
0x4e: {  	_ =	swait.ge [sflag:s13], $0x500  }
0x4f: {  	[sflag:s13] =	ssyncset.done $0x0  }
0x50: {  	[sflag:s13] =	ssyncadd.s32 $0xFFFFFB00  }
0x51: {  	[spmem:s2] =	stream.indirect.scatter.add.f32 [tilespmem:s24], [sflag:$0x1], $0x10, s23, s15, $0xb8;
	[tilespmem:$0x1F0E0] =	vst v63  }
0x52: {  	_ =	swait.ge [sflag:s13], $0x500  }
0x53: {  	[sflag:s13] =	ssyncset.done $0x0  }
0x54: {  	[sflag:s13] =	ssyncadd.s32 $0xFFFFFB00  }
0x55: {  	[spmem:s2] =	stream.indirect.scatter.add.f32 [tilespmem:s26], [sflag:$0x1], $0x10, s25, s15, $0xb8;
	[tilespmem:$0x1F0E0] =	vst v63  }
0x56: {  	_ =	swait.ge [sflag:s13], $0x500  }
0x57: {  	[sflag:s13] =	ssyncset.done $0x0  }
0x58: {  	[sflag:s13] =	ssyncadd.s32 $0xFFFFFB00  }
0x59: {  	[spmem:s2] =	stream.indirect.scatter.add.f32 [tilespmem:s9], [sflag:$0x1], $0x10, s28, s15, $0xb8;
	[tilespmem:$0x1F0E0] =	vst v63  }
0x5a: {  	_ =	swait.ge [sflag:s13], $0x500  }
0x5b: {  	[sflag:s13] =	ssyncset.done $0x0  }
0x5c: {  	[sflag:s13] =	ssyncadd.s32 $0xFFFFFB00  }
0x5d: {  	[spmem:s2] =	stream.indirect.scatter.add.f32 [tilespmem:s6], [sflag:$0x1], $0x10, s14, s15, $0xb8;
	[tilespmem:$0x1F0E0] =	vst v63  }
0x5e: {  	_ =	swait.ge [sflag:s13], $0x500  }
0x5f: {  	[sflag:s13] =	ssyncset.done $0x0  }
0x60: {  	[sflag:s13] =	ssyncadd.s32 $0xFFFFFB00  }
0x61: {  	[spmem:s2] =	stream.indirect.scatter.add.f32 [tilespmem:s8], [sflag:$0x1], $0x10, s7, s15, $0xb8;
	[tilespmem:$0x1F0E0] =	vst v63  }
0x62: {  	_ =	swait.ge [sflag:s13], $0x500  }
0x63: {  	[sflag:s13] =	ssyncset.done $0x0  }
0x64: {  	[sflag:s13] =	ssyncadd.s32 $0xFFFFFB00  }
0x65: {  	[spmem:s2] =	stream.indirect.scatter.add.f32 [tilespmem:s10], [sflag:$0x1], $0x10, s4, s15, $0xb8;
	[tilespmem:$0x1F0E0] =	vst v63  }
0x66: {  	_ =	swait.ge [sflag:s13], $0x500  }
0x67: {  	[sflag:s13] =	ssyncset.done $0x0  }
0x68: {  	[sflag:s13] =	ssyncadd.s32 $0xFFFFFB00  }
0x69: {  	[spmem:s2] =	stream.indirect.scatter.add.f32 [tilespmem:s5], [sflag:$0x1], $0x10, s11, s15, $0xb8;
	[tilespmem:$0x1F0E0] =	vst v63  }
0x6a: {  	_ =	swait.ge [sflag:s13], $0x500  }
0x6b: {  	[sflag:s13] =	ssyncset.done $0x0  }
0x6c: {  	[sflag:s13] =	ssyncadd.s32 $0xFFFFFB00  }
0x6d: {  	[spmem:s2] =	stream.indirect.scatter.add.f32 [tilespmem:s16], [sflag:$0x1], $0x10, s12, s15, $0xb8;
	[tilespmem:$0x1F0E0] =	vst v63  }
0x6e: {  	_ =	swait.ge [sflag:s13], $0x500  }
0x6f: {  	[sflag:s13] =	ssyncset.done $0x0  }
0x70: {  	[sflag:s13] =	ssyncadd.s32 $0xFFFFFB00  }
0x71: {  	[spmem:s2] =	stream.indirect.scatter.add.f32 [tilespmem:s18], [sflag:$0x1], $0x10, s17, s15, $0xb8;
	[tilespmem:$0x1F0E0] =	vst v63  }
0x72: {  	_ =	swait.ge [sflag:s13], $0x500  }
0x73: {  	[sflag:s13] =	ssyncset.done $0x0  }
0x74: {  	[sflag:s13] =	ssyncadd.s32 $0xFFFFFB00  }
0x75: {  	[spmem:s2] =	stream.indirect.scatter.add.f32 [tilespmem:s20], [sflag:$0x1], $0x10, s19, s15, $0xb8;
	[tilespmem:$0x1F0E0] =	vst v63  }
0x76: {  	_ =	swait.ge [sflag:s13], $0x500  }
0x77: {  	[sflag:s13] =	ssyncset.done $0x0  }
0x78: {  	[sflag:s13] =	ssyncadd.s32 $0xFFFFFB00  }
0x79: {  	[spmem:s2] =	stream.indirect.scatter.add.f32 [tilespmem:s22], [sflag:$0x1], $0x10, s21, s15, $0xb8;
	[tilespmem:$0x1F0E0] =	vst v63  }
0x7a: {  	s30 =	simm.s32 $0xC8;
	_ =	swait.ge [sflag:s13], $0x500  }
0x7b: {  	s31 =	simm.s32 $0x190;
	s29 =	sadd.s32 $0xC80, s0;
	[sflag:s13] =	ssyncset.done $0x0  }
.LBB2_2:
0x7c: {  	s0 =	rddreg [dreg:$0x4]  }
0x7d: {  	[sflag:s13] =	ssyncadd.s32 $0xFFFFFB00;
	s1 =	sadd.s32 s30, s0  }
0x7e: {  	[tilespmem:s3], [sflag:$0x1] =	stream.linear.gather [hbm4b:s1+s3], $0x640, $0x38;
	[tilespmem:$0x1F0E0] =	vst v63  }
0x7f: {  	_ =	swait.ge [sflag:s13], $0x640  }
0x80: {  	[sflag:s13] =	ssyncset.done $0x0  }
0x81: {  	s1 =	simm.s32 $0x640;
	[sflag:s13] =	ssyncadd.s32 $0xFFFFF9C0  }
0x82: {  	[tilespmem:s1], [sflag:$0x1] =	stream.linear.gather [hbm4b:s29+s3], $0x6400, $0x38;
	[tilespmem:$0x1F0E0] =	vst v63  }
0x83: {  	_ =	swait.ge [sflag:s13], $0x6400  }
0x84: {  	[sflag:s13] =	ssyncset.done $0x0  }
0x85: {  	[sflag:s13] =	ssyncadd.s32 $0xFFFF9C00  }
0x86: {  	[spmem:s2] =	stream.indirect.scatter.add.f32 [tilespmem:s1], [sflag:$0x1], $0x10, s3, s15, $0xb8;
	[tilespmem:$0x1F0E0] =	vst v63  }
0x87: {  	_ =	swait.ge [sflag:s13], $0x500  }
0x88: {  	[sflag:s13] =	ssyncset.done $0x0  }
0x89: {  	s1 =	simm.s32 $0xB40;
	[sflag:s13] =	ssyncadd.s32 $0xFFFFFB00  }
0x8a: {  	[spmem:s2] =	stream.indirect.scatter.add.f32 [tilespmem:s1], [sflag:$0x1], $0x10, s15, s15, $0xb8;
	[tilespmem:$0x1F0E0] =	vst v63  }
0x8b: {  	p0 =	sne.s32 s31, $0x60E0;
	_ =	swait.ge [sflag:s13], $0x500  }
0x8c: {  	s30 =	smov.u32 s31;
	s0 =	sadd.s32 $0xC8, s31;
	[sflag:s13] =	ssyncset.done $0x0  }
0x8d: {  	s31 =	simm.s32 $0x1040;
	s1 =	simm.s32 $0xA0;
	[sflag:s13] =	ssyncadd.s32 $0xFFFFFB00  }
0x8e: {  	[spmem:s2] =	stream.indirect.scatter.add.f32 [tilespmem:s31], [sflag:$0x1], $0x10, s1, s15, $0xb8;
	[tilespmem:$0x1F0E0] =	vst v63  }
0x8f: {  	_ =	swait.ge [sflag:s13], $0x500  }
0x90: {  	[sflag:s13] =	ssyncset.done $0x0  }
0x91: {  	s1 =	simm.s32 $0xF0;
	s31 =	simm.s32 $0x1540;
	[sflag:s13] =	ssyncadd.s32 $0xFFFFFB00  }
0x92: {  	[spmem:s2] =	stream.indirect.scatter.add.f32 [tilespmem:s31], [sflag:$0x1], $0x10, s1, s15, $0xb8;
	[tilespmem:$0x1F0E0] =	vst v63  }
0x93: {  	_ =	swait.ge [sflag:s13], $0x500  }
0x94: {  	[sflag:s13] =	ssyncset.done $0x0  }
0x95: {  	s1 =	simm.s32 $0x140;
	s31 =	simm.s32 $0x1A40;
	[sflag:s13] =	ssyncadd.s32 $0xFFFFFB00  }
0x96: {  	[spmem:s2] =	stream.indirect.scatter.add.f32 [tilespmem:s31], [sflag:$0x1], $0x10, s1, s15, $0xb8;
	[tilespmem:$0x1F0E0] =	vst v63  }
0x97: {  	_ =	swait.ge [sflag:s13], $0x500  }
0x98: {  	[sflag:s13] =	ssyncset.done $0x0  }
0x99: {  	s1 =	simm.s32 $0x190;
	s31 =	simm.s32 $0x1F40;
	[sflag:s13] =	ssyncadd.s32 $0xFFFFFB00  }
0x9a: {  	[spmem:s2] =	stream.indirect.scatter.add.f32 [tilespmem:s31], [sflag:$0x1], $0x10, s1, s15, $0xb8;
	[tilespmem:$0x1F0E0] =	vst v63  }
0x9b: {  	_ =	swait.ge [sflag:s13], $0x500  }
0x9c: {  	[sflag:s13] =	ssyncset.done $0x0  }
0x9d: {  	s1 =	simm.s32 $0x1E0;
	s31 =	simm.s32 $0x2440;
	[sflag:s13] =	ssyncadd.s32 $0xFFFFFB00  }
0x9e: {  	[spmem:s2] =	stream.indirect.scatter.add.f32 [tilespmem:s31], [sflag:$0x1], $0x10, s1, s15, $0xb8;
	[tilespmem:$0x1F0E0] =	vst v63  }
0x9f: {  	_ =	swait.ge [sflag:s13], $0x500  }
0xa0: {  	[sflag:s13] =	ssyncset.done $0x0  }
0xa1: {  	s1 =	simm.s32 $0x230;
	s31 =	simm.s32 $0x2940;
	[sflag:s13] =	ssyncadd.s32 $0xFFFFFB00  }
0xa2: {  	[spmem:s2] =	stream.indirect.scatter.add.f32 [tilespmem:s31], [sflag:$0x1], $0x10, s1, s15, $0xb8;
	[tilespmem:$0x1F0E0] =	vst v63  }
0xa3: {  	_ =	swait.ge [sflag:s13], $0x500  }
0xa4: {  	[sflag:s13] =	ssyncset.done $0x0  }
0xa5: {  	s1 =	simm.s32 $0x280;
	s31 =	simm.s32 $0x2E40;
	[sflag:s13] =	ssyncadd.s32 $0xFFFFFB00  }
0xa6: {  	[spmem:s2] =	stream.indirect.scatter.add.f32 [tilespmem:s31], [sflag:$0x1], $0x10, s1, s15, $0xb8;
	[tilespmem:$0x1F0E0] =	vst v63  }
0xa7: {  	_ =	swait.ge [sflag:s13], $0x500  }
0xa8: {  	[sflag:s13] =	ssyncset.done $0x0  }
0xa9: {  	[sflag:s13] =	ssyncadd.s32 $0xFFFFFB00  }
0xaa: {  	[spmem:s2] =	stream.indirect.scatter.add.f32 [tilespmem:s24], [sflag:$0x1], $0x10, s23, s15, $0xb8;
	[tilespmem:$0x1F0E0] =	vst v63  }
0xab: {  	_ =	swait.ge [sflag:s13], $0x500  }
0xac: {  	[sflag:s13] =	ssyncset.done $0x0  }
0xad: {  	[sflag:s13] =	ssyncadd.s32 $0xFFFFFB00  }
0xae: {  	[spmem:s2] =	stream.indirect.scatter.add.f32 [tilespmem:s26], [sflag:$0x1], $0x10, s25, s15, $0xb8;
	[tilespmem:$0x1F0E0] =	vst v63  }
0xaf: {  	_ =	swait.ge [sflag:s13], $0x500  }
0xb0: {  	[sflag:s13] =	ssyncset.done $0x0  }
0xb1: {  	[sflag:s13] =	ssyncadd.s32 $0xFFFFFB00  }
0xb2: {  	[spmem:s2] =	stream.indirect.scatter.add.f32 [tilespmem:s9], [sflag:$0x1], $0x10, s28, s15, $0xb8;
	[tilespmem:$0x1F0E0] =	vst v63  }
0xb3: {  	_ =	swait.ge [sflag:s13], $0x500  }
0xb4: {  	[sflag:s13] =	ssyncset.done $0x0  }
0xb5: {  	[sflag:s13] =	ssyncadd.s32 $0xFFFFFB00  }
0xb6: {  	[spmem:s2] =	stream.indirect.scatter.add.f32 [tilespmem:s6], [sflag:$0x1], $0x10, s14, s15, $0xb8;
	[tilespmem:$0x1F0E0] =	vst v63  }
0xb7: {  	_ =	swait.ge [sflag:s13], $0x500  }
0xb8: {  	[sflag:s13] =	ssyncset.done $0x0  }
0xb9: {  	[sflag:s13] =	ssyncadd.s32 $0xFFFFFB00  }
0xba: {  	[spmem:s2] =	stream.indirect.scatter.add.f32 [tilespmem:s8], [sflag:$0x1], $0x10, s7, s15, $0xb8;
	[tilespmem:$0x1F0E0] =	vst v63  }
0xbb: {  	_ =	swait.ge [sflag:s13], $0x500  }
0xbc: {  	[sflag:s13] =	ssyncset.done $0x0  }
0xbd: {  	[sflag:s13] =	ssyncadd.s32 $0xFFFFFB00  }
0xbe: {  	[spmem:s2] =	stream.indirect.scatter.add.f32 [tilespmem:s10], [sflag:$0x1], $0x10, s4, s15, $0xb8;
	[tilespmem:$0x1F0E0] =	vst v63  }
0xbf: {  	_ =	swait.ge [sflag:s13], $0x500  }
0xc0: {  	[sflag:s13] =	ssyncset.done $0x0  }
0xc1: {  	[sflag:s13] =	ssyncadd.s32 $0xFFFFFB00  }
0xc2: {  	[spmem:s2] =	stream.indirect.scatter.add.f32 [tilespmem:s5], [sflag:$0x1], $0x10, s11, s15, $0xb8;
	[tilespmem:$0x1F0E0] =	vst v63  }
0xc3: {  	_ =	swait.ge [sflag:s13], $0x500  }
0xc4: {  	[sflag:s13] =	ssyncset.done $0x0  }
0xc5: {  	[sflag:s13] =	ssyncadd.s32 $0xFFFFFB00  }
0xc6: {  	[spmem:s2] =	stream.indirect.scatter.add.f32 [tilespmem:s16], [sflag:$0x1], $0x10, s12, s15, $0xb8;
	[tilespmem:$0x1F0E0] =	vst v63  }
0xc7: {  	_ =	swait.ge [sflag:s13], $0x500  }
0xc8: {  	[sflag:s13] =	ssyncset.done $0x0  }
0xc9: {  	[sflag:s13] =	ssyncadd.s32 $0xFFFFFB00  }
0xca: {  	[spmem:s2] =	stream.indirect.scatter.add.f32 [tilespmem:s18], [sflag:$0x1], $0x10, s17, s15, $0xb8;
	[tilespmem:$0x1F0E0] =	vst v63  }
0xcb: {  	_ =	swait.ge [sflag:s13], $0x500  }
0xcc: {  	[sflag:s13] =	ssyncset.done $0x0  }
0xcd: {  	[sflag:s13] =	ssyncadd.s32 $0xFFFFFB00  }
0xce: {  	[spmem:s2] =	stream.indirect.scatter.add.f32 [tilespmem:s20], [sflag:$0x1], $0x10, s19, s15, $0xb8;
	[tilespmem:$0x1F0E0] =	vst v63  }
0xcf: {  	_ =	swait.ge [sflag:s13], $0x500  }
.Ltmp0:
0xd0: {  	[sflag:s13] =	ssyncset.done $0x0;
	(pc) =	sbr.rel @p0 .LBB2_2-.Ltmp0, $4  }
0xd1: {  	[sflag:s13] =	ssyncadd.s32 $0xFFFFFB00  }
0xd2: {  	[spmem:s2] =	stream.indirect.scatter.add.f32 [tilespmem:s22], [sflag:$0x1], $0x10, s21, s15, $0xb8;
	[tilespmem:$0x1F0E0] =	vst v63  }
0xd3: {  	_ =	swait.ge [sflag:s13], $0x500  }
0xd4: {  	s29 =	sadd.s32 $0xC80, s29;
	s31 =	smov.u32 s0;
	[sflag:s13] =	ssyncset.done $0x0  }
0xd5: {  	s5 =	rddreg [dreg:$0x4]  }
0xd6: {  	[sflag:s13] =	ssyncadd.s32 $0xFFFFFB00;
	s0 =	sadd.s32 s30, s5  }
0xd7: {  	[tilespmem:s3], [sflag:$0x1] =	stream.linear.gather [hbm4b:s0+s3], $0x640, $0x38;
	[tilespmem:$0x1F0E0] =	vst v63  }
0xd8: {  	_ =	swait.ge [sflag:s13], $0x640  }
0xd9: {  	[sflag:s13] =	ssyncset.done $0x0  }
0xda: {  	s6 =	simm.s32 $0x640;
	[sflag:s13] =	ssyncadd.s32 $0xFFFFF9C0  }
0xdb: {  	[tilespmem:s6], [sflag:$0x1] =	stream.linear.gather [hbm4b:s29+s3], $0x6400, $0x38;
	[tilespmem:$0x1F0E0] =	vst v63  }
0xdc: {  	_ =	swait.ge [sflag:s13], $0x6400  }
0xdd: {  	[sflag:s13] =	ssyncset.done $0x0  }
0xde: {  	[sflag:s13] =	ssyncadd.s32 $0xFFFF9C00  }
0xdf: {  	[spmem:s2] =	stream.indirect.scatter.add.f32 [tilespmem:s6], [sflag:$0x1], $0x10, s3, s15, $0xb8;
	[tilespmem:$0x1F0E0] =	vst v63  }
0xe0: {  	_ =	swait.ge [sflag:s13], $0x500  }
0xe1: {  	[sflag:s13] =	ssyncset.done $0x0  }
0xe2: {  	s7 =	simm.s32 $0xB40;
	[sflag:s13] =	ssyncadd.s32 $0xFFFFFB00  }
0xe3: {  	[spmem:s2] =	stream.indirect.scatter.add.f32 [tilespmem:s7], [sflag:$0x1], $0x10, s15, s15, $0xb8;
	[tilespmem:$0x1F0E0] =	vst v63  }
0xe4: {  	_ =	swait.ge [sflag:s13], $0x500  }
0xe5: {  	[sflag:s13] =	ssyncset.done $0x0  }
0xe6: {  	s4 =	simm.s32 $0xA0;
	s30 =	simm.s32 $0x1040;
	[sflag:s13] =	ssyncadd.s32 $0xFFFFFB00  }
0xe7: {  	[spmem:s2] =	stream.indirect.scatter.add.f32 [tilespmem:s30], [sflag:$0x1], $0x10, s4, s15, $0xb8;
	[tilespmem:$0x1F0E0] =	vst v63  }
0xe8: {  	_ =	swait.ge [sflag:s13], $0x500  }
0xe9: {  	[sflag:s13] =	ssyncset.done $0x0  }
0xea: {  	s8 =	simm.s32 $0xF0;
	s31 =	simm.s32 $0x1540;
	[sflag:s13] =	ssyncadd.s32 $0xFFFFFB00  }
0xeb: {  	[spmem:s2] =	stream.indirect.scatter.add.f32 [tilespmem:s31], [sflag:$0x1], $0x10, s8, s15, $0xb8;
	[tilespmem:$0x1F0E0] =	vst v63  }
0xec: {  	_ =	swait.ge [sflag:s13], $0x500  }
0xed: {  	[sflag:s13] =	ssyncset.done $0x0  }
0xee: {  	s9 =	simm.s32 $0x140;
	s23 =	simm.s32 $0x1A40;
	[sflag:s13] =	ssyncadd.s32 $0xFFFFFB00  }
0xef: {  	[spmem:s2] =	stream.indirect.scatter.add.f32 [tilespmem:s23], [sflag:$0x1], $0x10, s9, s15, $0xb8;
	[tilespmem:$0x1F0E0] =	vst v63  }
0xf0: {  	_ =	swait.ge [sflag:s13], $0x500  }
0xf1: {  	[sflag:s13] =	ssyncset.done $0x0  }
0xf2: {  	s10 =	simm.s32 $0x190;
	s24 =	simm.s32 $0x1F40;
	[sflag:s13] =	ssyncadd.s32 $0xFFFFFB00  }
0xf3: {  	[spmem:s2] =	stream.indirect.scatter.add.f32 [tilespmem:s24], [sflag:$0x1], $0x10, s10, s15, $0xb8;
	[tilespmem:$0x1F0E0] =	vst v63  }
0xf4: {  	_ =	swait.ge [sflag:s13], $0x500  }
0xf5: {  	[sflag:s13] =	ssyncset.done $0x0  }
0xf6: {  	s11 =	simm.s32 $0x1E0;
	s25 =	simm.s32 $0x2440;
	[sflag:s13] =	ssyncadd.s32 $0xFFFFFB00  }
0xf7: {  	[spmem:s2] =	stream.indirect.scatter.add.f32 [tilespmem:s25], [sflag:$0x1], $0x10, s11, s15, $0xb8;
	[tilespmem:$0x1F0E0] =	vst v63  }
0xf8: {  	_ =	swait.ge [sflag:s13], $0x500  }
0xf9: {  	[sflag:s13] =	ssyncset.done $0x0  }
0xfa: {  	s12 =	simm.s32 $0x230;
	s26 =	simm.s32 $0x2940;
	[sflag:s13] =	ssyncadd.s32 $0xFFFFFB00  }
0xfb: {  	[spmem:s2] =	stream.indirect.scatter.add.f32 [tilespmem:s26], [sflag:$0x1], $0x10, s12, s15, $0xb8;
	[tilespmem:$0x1F0E0] =	vst v63  }
0xfc: {  	_ =	swait.ge [sflag:s13], $0x500  }
0xfd: {  	[sflag:s13] =	ssyncset.done $0x0  }
0xfe: {  	s14 =	simm.s32 $0x280;
	s28 =	simm.s32 $0x2E40;
	[sflag:s13] =	ssyncadd.s32 $0xFFFFFB00  }
0xff: {  	[spmem:s2] =	stream.indirect.scatter.add.f32 [tilespmem:s28], [sflag:$0x1], $0x10, s14, s15, $0xb8;
	[tilespmem:$0x1F0E0] =	vst v63  }
0x100: {  	_ =	swait.ge [sflag:s13], $0x500  }
0x101: {  	[sflag:s13] =	ssyncset.done $0x0  }
0x102: {  	s16 =	simm.s32 $0x2D0;
	s17 =	simm.s32 $0x3340;
	[sflag:s13] =	ssyncadd.s32 $0xFFFFFB00  }
0x103: {  	[spmem:s2] =	stream.indirect.scatter.add.f32 [tilespmem:s17], [sflag:$0x1], $0x10, s16, s15, $0xb8;
	[tilespmem:$0x1F0E0] =	vst v63  }
0x104: {  	_ =	swait.ge [sflag:s13], $0x500  }
0x105: {  	[sflag:s13] =	ssyncset.done $0x0  }
0x106: {  	s18 =	simm.s32 $0x3840;
	s17 =	simm.s32 $0x320;
	[sflag:s13] =	ssyncadd.s32 $0xFFFFFB00  }
0x107: {  	[spmem:s2] =	stream.indirect.scatter.add.f32 [tilespmem:s18], [sflag:$0x1], $0x10, s17, s15, $0xb8;
	[tilespmem:$0x1F0E0] =	vst v63  }
0x108: {  	_ =	swait.ge [sflag:s13], $0x500  }
0x109: {  	[sflag:s13] =	ssyncset.done $0x0  }
0x10a: {  	s19 =	simm.s32 $0x3D40;
	s18 =	simm.s32 $0x370;
	[sflag:s13] =	ssyncadd.s32 $0xFFFFFB00  }
0x10b: {  	[spmem:s2] =	stream.indirect.scatter.add.f32 [tilespmem:s19], [sflag:$0x1], $0x10, s18, s15, $0xb8;
	[tilespmem:$0x1F0E0] =	vst v63  }
0x10c: {  	_ =	swait.ge [sflag:s13], $0x500  }
0x10d: {  	[sflag:s13] =	ssyncset.done $0x0  }
0x10e: {  	s20 =	simm.s32 $0x4240;
	s19 =	simm.s32 $0x3C0;
	[sflag:s13] =	ssyncadd.s32 $0xFFFFFB00  }
0x10f: {  	[spmem:s2] =	stream.indirect.scatter.add.f32 [tilespmem:s20], [sflag:$0x1], $0x10, s19, s15, $0xb8;
	[tilespmem:$0x1F0E0] =	vst v63  }
0x110: {  	_ =	swait.ge [sflag:s13], $0x500  }
0x111: {  	[sflag:s13] =	ssyncset.done $0x0  }
0x112: {  	s21 =	simm.s32 $0x4740;
	s20 =	simm.s32 $0x410;
	[sflag:s13] =	ssyncadd.s32 $0xFFFFFB00  }
0x113: {  	[spmem:s2] =	stream.indirect.scatter.add.f32 [tilespmem:s21], [sflag:$0x1], $0x10, s20, s15, $0xb8;
	[tilespmem:$0x1F0E0] =	vst v63  }
0x114: {  	_ =	swait.ge [sflag:s13], $0x500  }
0x115: {  	[sflag:s13] =	ssyncset.done $0x0  }
0x116: {  	s22 =	simm.s32 $0x4C40;
	s21 =	simm.s32 $0x460;
	[sflag:s13] =	ssyncadd.s32 $0xFFFFFB00  }
0x117: {  	[spmem:s2] =	stream.indirect.scatter.add.f32 [tilespmem:s22], [sflag:$0x1], $0x10, s21, s15, $0xb8;
	[tilespmem:$0x1F0E0] =	vst v63  }
0x118: {  	_ =	swait.ge [sflag:s13], $0x500  }
0x119: {  	[sflag:s13] =	ssyncset.done $0x0  }
0x11a: {  	s1 =	simm.s32 $0x5140;
	s22 =	simm.s32 $0x4B0;
	[sflag:s13] =	ssyncadd.s32 $0xFFFFFB00  }
0x11b: {  	[spmem:s2] =	stream.indirect.scatter.add.f32 [tilespmem:s1], [sflag:$0x1], $0x10, s22, s15, $0xb8;
	[tilespmem:$0x1F0E0] =	vst v63  }
0x11c: {  	_ =	swait.ge [sflag:s13], $0x500  }
0x11d: {  	[sflag:s13] =	ssyncset.done $0x0  }
0x11e: {  	s0 =	simm.s32 $0x500;
	s1 =	simm.s32 $0x5640;
	[sflag:s13] =	ssyncadd.s32 $0xFFFFFB00  }
0x11f: {  	[spmem:s2] =	stream.indirect.scatter.add.f32 [tilespmem:s1], [sflag:$0x1], $0x10, s0, s15, $0xb8;
	[tilespmem:$0x1F0E0] =	vst v63  }
0x120: {  	_ =	swait.ge [sflag:s13], $0x500  }
0x121: {  	[sflag:s13] =	ssyncset.done $0x0  }
0x122: {  	s0 =	simm.s32 $0x550;
	s1 =	simm.s32 $0x5B40;
	[sflag:s13] =	ssyncadd.s32 $0xFFFFFB00  }
0x123: {  	[spmem:s2] =	stream.indirect.scatter.add.f32 [tilespmem:s1], [sflag:$0x1], $0x10, s0, s15, $0xb8;
	[tilespmem:$0x1F0E0] =	vst v63  }
0x124: {  	_ =	swait.ge [sflag:s13], $0x500  }
0x125: {  	[sflag:s13] =	ssyncset.done $0x0  }
0x126: {  	s0 =	simm.s32 $0x5A0;
	s1 =	simm.s32 $0x6040;
	[sflag:s13] =	ssyncadd.s32 $0xFFFFFB00  }
0x127: {  	[spmem:s2] =	stream.indirect.scatter.add.f32 [tilespmem:s1], [sflag:$0x1], $0x10, s0, s15, $0xb8;
	[tilespmem:$0x1F0E0] =	vst v63  }
0x128: {  	_ =	swait.ge [sflag:s13], $0x500  }
0x129: {  	[sflag:s13] =	ssyncset.done $0x0  }
0x12a: {  	s0 =	simm.s32 $0x5F0;
	s1 =	simm.s32 $0x6540;
	[sflag:s13] =	ssyncadd.s32 $0xFFFFFB00  }
0x12b: {  	[spmem:s2] =	stream.indirect.scatter.add.f32 [tilespmem:s1], [sflag:$0x1], $0x10, s0, s15, $0xb8;
	[tilespmem:$0x1F0E0] =	vst v63  }
0x12c: {  	_ =	swait.ge [sflag:s13], $0x500  }
0x12d: {  	[sflag:s13] =	ssyncset.done $0x0  }
0x12e: {  	[sflag:s13] =	ssyncadd.s32 $0xFFFFFB00  }
0x12f: {  	[bflag:$0x0] =	sbarrier.arrive $0xFFFF  }
0x130: {  	s1 =	rddreg [dreg:$0x6]  }
0x131: {  	s0 =	rddreg [dreg:$0x7]  }
0x132: {  	s29 =	rddreg [dreg:$0xc]  }
0x133: {  	[hbm:s0], [sflag:s1] =	dma.local [spmem:s29], $0x30D4  }
0x134: {  	_ =	swait.ge [sflag:s13], $0x30D4  }
0x135: {  	[sflag:s13] =	ssyncset.done $0x0  }
0x136: {  	[sflag:s13] =	ssyncadd.s32 $0xFFFFCF2C  }
0x137: {  	[bflag:$0x0] =	sbarrier.arrive $0xFFFF  }
0x138: {  	s0 =	rddreg [dreg:$0x5]  }
0x139: {  	[spmem:s29], [sflag:s1] =	dma.local [hbm:s0], $0x30D4  }
0x13a: {  	_ =	swait.ge [sflag:s13], $0x30D4  }
0x13b: {  	[sflag:s13] =	ssyncset.done $0x0  }
0x13c: {  	[sflag:s13] =	ssyncadd.s32 $0xFFFFCF2C  }
0x13d: {  	s5 =	sadd.s32 $0x0, s5;
	[bflag:$0x0] =	sbarrier.arrive $0xFFFF  }
0x13e: {  	[tilespmem:s3], [sflag:$0x1] =	stream.linear.gather [hbm4b:s5+s3], $0x640, $0x38;
	[tilespmem:$0x1F0E0] =	vst v63  }
0x13f: {  	_ =	swait.ge [sflag:s13], $0x640  }
0x140: {  	[sflag:s13] =	ssyncset.done $0x0  }
0x141: {  	s1 =	rddreg [dreg:$0xb];
	[sflag:s13] =	ssyncadd.s32 $0xFFFFF9C0  }
0x142: {  	[tilespmem:s6], [sflag:$0x1] =	stream.linear.gather [hbm4b:s1+s3], $0x6400, $0x38;
	[tilespmem:$0x1F0E0] =	vst v63  }
0x143: {  	_ =	swait.ge [sflag:s13], $0x6400  }
0x144: {  	[sflag:s13] =	ssyncset.done $0x0  }
0x145: {  	[sflag:s13] =	ssyncadd.s32 $0xFFFF9C00  }
0x146: {  	[spmem:s2] =	stream.indirect.scatter.add.f32 [tilespmem:s6], [sflag:$0x1], $0x10, s3, s15, $0xb8;
	[tilespmem:$0x1F0E0] =	vst v63  }
0x147: {  	_ =	swait.ge [sflag:s13], $0x500  }
0x148: {  	[sflag:s13] =	ssyncset.done $0x0  }
0x149: {  	[sflag:s13] =	ssyncadd.s32 $0xFFFFFB00  }
0x14a: {  	[spmem:s2] =	stream.indirect.scatter.add.f32 [tilespmem:s7], [sflag:$0x1], $0x10, s15, s15, $0xb8;
	[tilespmem:$0x1F0E0] =	vst v63  }
0x14b: {  	_ =	swait.ge [sflag:s13], $0x500  }
0x14c: {  	[sflag:s13] =	ssyncset.done $0x0  }
0x14d: {  	[sflag:s13] =	ssyncadd.s32 $0xFFFFFB00  }
0x14e: {  	[spmem:s2] =	stream.indirect.scatter.add.f32 [tilespmem:s30], [sflag:$0x1], $0x10, s4, s15, $0xb8;
	[tilespmem:$0x1F0E0] =	vst v63  }
0x14f: {  	_ =	swait.ge [sflag:s13], $0x500  }
0x150: {  	[sflag:s13] =	ssyncset.done $0x0  }
0x151: {  	[sflag:s13] =	ssyncadd.s32 $0xFFFFFB00  }
0x152: {  	[spmem:s2] =	stream.indirect.scatter.add.f32 [tilespmem:s31], [sflag:$0x1], $0x10, s8, s15, $0xb8;
	[tilespmem:$0x1F0E0] =	vst v63  }
0x153: {  	_ =	swait.ge [sflag:s13], $0x500  }
0x154: {  	[sflag:s13] =	ssyncset.done $0x0  }
0x155: {  	[sflag:s13] =	ssyncadd.s32 $0xFFFFFB00  }
0x156: {  	[spmem:s2] =	stream.indirect.scatter.add.f32 [tilespmem:s23], [sflag:$0x1], $0x10, s9, s15, $0xb8;
	[tilespmem:$0x1F0E0] =	vst v63  }
0x157: {  	_ =	swait.ge [sflag:s13], $0x500  }
0x158: {  	[sflag:s13] =	ssyncset.done $0x0  }
0x159: {  	[sflag:s13] =	ssyncadd.s32 $0xFFFFFB00  }
0x15a: {  	[spmem:s2] =	stream.indirect.scatter.add.f32 [tilespmem:s24], [sflag:$0x1], $0x10, s10, s15, $0xb8;
	[tilespmem:$0x1F0E0] =	vst v63  }
0x15b: {  	_ =	swait.ge [sflag:s13], $0x500  }
0x15c: {  	[sflag:s13] =	ssyncset.done $0x0  }
0x15d: {  	[sflag:s13] =	ssyncadd.s32 $0xFFFFFB00  }
0x15e: {  	[spmem:s2] =	stream.indirect.scatter.add.f32 [tilespmem:s25], [sflag:$0x1], $0x10, s11, s15, $0xb8;
	[tilespmem:$0x1F0E0] =	vst v63  }
0x15f: {  	_ =	swait.ge [sflag:s13], $0x500  }
0x160: {  	[sflag:s13] =	ssyncset.done $0x0  }
0x161: {  	[sflag:s13] =	ssyncadd.s32 $0xFFFFFB00  }
0x162: {  	[spmem:s2] =	stream.indirect.scatter.add.f32 [tilespmem:s26], [sflag:$0x1], $0x10, s12, s15, $0xb8;
	[tilespmem:$0x1F0E0] =	vst v63  }
0x163: {  	_ =	swait.ge [sflag:s13], $0x500  }
0x164: {  	[sflag:s13] =	ssyncset.done $0x0  }
0x165: {  	[sflag:s13] =	ssyncadd.s32 $0xFFFFFB00  }
0x166: {  	[spmem:s2] =	stream.indirect.scatter.add.f32 [tilespmem:s28], [sflag:$0x1], $0x10, s14, s15, $0xb8;
	[tilespmem:$0x1F0E0] =	vst v63  }
0x167: {  	_ =	swait.ge [sflag:s13], $0x500  }
0x168: {  	[sflag:s13] =	ssyncset.done $0x0  }
0x169: {  	s6 =	simm.s32 $0x3340;
	[sflag:s13] =	ssyncadd.s32 $0xFFFFFB00  }
0x16a: {  	[spmem:s2] =	stream.indirect.scatter.add.f32 [tilespmem:s6], [sflag:$0x1], $0x10, s16, s15, $0xb8;
	[tilespmem:$0x1F0E0] =	vst v63  }
0x16b: {  	_ =	swait.ge [sflag:s13], $0x500  }
0x16c: {  	[sflag:s13] =	ssyncset.done $0x0  }
0x16d: {  	s7 =	simm.s32 $0x3840;
	[sflag:s13] =	ssyncadd.s32 $0xFFFFFB00  }
0x16e: {  	[spmem:s2] =	stream.indirect.scatter.add.f32 [tilespmem:s7], [sflag:$0x1], $0x10, s17, s15, $0xb8;
	[tilespmem:$0x1F0E0] =	vst v63  }
0x16f: {  	_ =	swait.ge [sflag:s13], $0x500  }
0x170: {  	[sflag:s13] =	ssyncset.done $0x0  }
0x171: {  	s8 =	simm.s32 $0x3D40;
	[sflag:s13] =	ssyncadd.s32 $0xFFFFFB00  }
0x172: {  	[spmem:s2] =	stream.indirect.scatter.add.f32 [tilespmem:s8], [sflag:$0x1], $0x10, s18, s15, $0xb8;
	[tilespmem:$0x1F0E0] =	vst v63  }
0x173: {  	_ =	swait.ge [sflag:s13], $0x500  }
0x174: {  	[sflag:s13] =	ssyncset.done $0x0  }
0x175: {  	s10 =	simm.s32 $0x4240;
	[sflag:s13] =	ssyncadd.s32 $0xFFFFFB00  }
0x176: {  	[spmem:s2] =	stream.indirect.scatter.add.f32 [tilespmem:s10], [sflag:$0x1], $0x10, s19, s15, $0xb8;
	[tilespmem:$0x1F0E0] =	vst v63  }
0x177: {  	_ =	swait.ge [sflag:s13], $0x500  }
0x178: {  	[sflag:s13] =	ssyncset.done $0x0  }
0x179: {  	s11 =	simm.s32 $0x4740;
	[sflag:s13] =	ssyncadd.s32 $0xFFFFFB00  }
0x17a: {  	[spmem:s2] =	stream.indirect.scatter.add.f32 [tilespmem:s11], [sflag:$0x1], $0x10, s20, s15, $0xb8;
	[tilespmem:$0x1F0E0] =	vst v63  }
0x17b: {  	_ =	swait.ge [sflag:s13], $0x500  }
0x17c: {  	[sflag:s13] =	ssyncset.done $0x0  }
0x17d: {  	s12 =	simm.s32 $0x4C40;
	[sflag:s13] =	ssyncadd.s32 $0xFFFFFB00  }
0x17e: {  	[spmem:s2] =	stream.indirect.scatter.add.f32 [tilespmem:s12], [sflag:$0x1], $0x10, s21, s15, $0xb8;
	[tilespmem:$0x1F0E0] =	vst v63  }
0x17f: {  	s29 =	simm.s32 $0x5F0;
	s0 =	simm.s32 $0x190;
	_ =	swait.ge [sflag:s13], $0x500  }
0x180: {  	s5 =	simm.s32 $0x5140;
	s4 =	simm.s32 $0x460;
	[sflag:s13] =	ssyncset.done $0x0  }
0x181: {  	s30 =	simm.s32 $0xC8;
	s16 =	simm.s32 $0x5140;
	[sflag:s13] =	ssyncadd.s32 $0xFFFFFB00  }
0x182: {  	[spmem:s2] =	stream.indirect.scatter.add.f32 [tilespmem:s16], [sflag:$0x1], $0x10, s22, s15, $0xb8;
	[tilespmem:$0x1F0E0] =	vst v63  }
0x183: {  	s31 =	simm.s32 $0x6540;
	s23 =	simm.s32 $0x2D0;
	_ =	swait.ge [sflag:s13], $0x500  }
0x184: {  	s9 =	simm.s32 $0x3D40;
	s24 =	simm.s32 $0x3340;
	[sflag:s13] =	ssyncset.done $0x0  }
0x185: {  	s17 =	simm.s32 $0x5640;
	s18 =	simm.s32 $0x500;
	[sflag:s13] =	ssyncadd.s32 $0xFFFFFB00  }
0x186: {  	[spmem:s2] =	stream.indirect.scatter.add.f32 [tilespmem:s17], [sflag:$0x1], $0x10, s18, s15, $0xb8;
	[tilespmem:$0x1F0E0] =	vst v63  }
0x187: {  	s25 =	simm.s32 $0x320;
	s26 =	simm.s32 $0x3840;
	_ =	swait.ge [sflag:s13], $0x500  }
0x188: {  	s28 =	simm.s32 $0x370;
	s14 =	simm.s32 $0x3C0;
	[sflag:s13] =	ssyncset.done $0x0  }
0x189: {  	s19 =	simm.s32 $0x5B40;
	s20 =	simm.s32 $0x550;
	[sflag:s13] =	ssyncadd.s32 $0xFFFFFB00  }
0x18a: {  	[spmem:s2] =	stream.indirect.scatter.add.f32 [tilespmem:s19], [sflag:$0x1], $0x10, s20, s15, $0xb8;
	[tilespmem:$0x1F0E0] =	vst v63  }
0x18b: {  	s6 =	simm.s32 $0x4240;
	s7 =	simm.s32 $0x410;
	_ =	swait.ge [sflag:s13], $0x500  }
0x18c: {  	s8 =	simm.s32 $0x4740;
	s10 =	simm.s32 $0x4C40;
	[sflag:s13] =	ssyncset.done $0x0  }
0x18d: {  	s21 =	simm.s32 $0x6040;
	s22 =	simm.s32 $0x5A0;
	[sflag:s13] =	ssyncadd.s32 $0xFFFFFB00  }
0x18e: {  	[spmem:s2] =	stream.indirect.scatter.add.f32 [tilespmem:s21], [sflag:$0x1], $0x10, s22, s15, $0xb8;
	[tilespmem:$0x1F0E0] =	vst v63  }
0x18f: {  	s11 =	simm.s32 $0x4B0;
	s12 =	simm.s32 $0x500;
	_ =	swait.ge [sflag:s13], $0x500  }
0x190: {  	s16 =	simm.s32 $0x5640;
	s17 =	simm.s32 $0x550;
	[sflag:s13] =	ssyncset.done $0x0  }
0x191: {  	s18 =	simm.s32 $0x5B40;
	s19 =	simm.s32 $0x5A0;
	[sflag:s13] =	ssyncadd.s32 $0xFFFFFB00  }
0x192: {  	[spmem:s2] =	stream.indirect.scatter.add.f32 [tilespmem:s31], [sflag:$0x1], $0x10, s29, s15, $0xb8;
	[tilespmem:$0x1F0E0] =	vst v63  }
0x193: {  	s20 =	simm.s32 $0x6040;
	s21 =	simm.s32 $0x5F0;
	_ =	swait.ge [sflag:s13], $0x500  }
0x194: {  	s22 =	simm.s32 $0x6540;
	s29 =	sadd.s32 $0xC80, s1;
	[sflag:s13] =	ssyncset.done $0x0  }
.LBB2_4:
0x195: {  	s1 =	rddreg [dreg:$0x4]  }
0x196: {  	[sflag:s13] =	ssyncadd.s32 $0xFFFFFB00;
	s1 =	sadd.s32 s30, s1  }
0x197: {  	[tilespmem:s3], [sflag:$0x1] =	stream.linear.gather [hbm4b:s1+s3], $0x640, $0x38;
	[tilespmem:$0x1F0E0] =	vst v63  }
0x198: {  	_ =	swait.ge [sflag:s13], $0x640  }
0x199: {  	[sflag:s13] =	ssyncset.done $0x0  }
0x19a: {  	s1 =	simm.s32 $0x640;
	[sflag:s13] =	ssyncadd.s32 $0xFFFFF9C0  }
0x19b: {  	[tilespmem:s1], [sflag:$0x1] =	stream.linear.gather [hbm4b:s29+s3], $0x6400, $0x38;
	[tilespmem:$0x1F0E0] =	vst v63  }
0x19c: {  	_ =	swait.ge [sflag:s13], $0x6400  }
0x19d: {  	[sflag:s13] =	ssyncset.done $0x0  }
0x19e: {  	[sflag:s13] =	ssyncadd.s32 $0xFFFF9C00  }
0x19f: {  	[spmem:s2] =	stream.indirect.scatter.add.f32 [tilespmem:s1], [sflag:$0x1], $0x10, s3, s15, $0xb8;
	[tilespmem:$0x1F0E0] =	vst v63  }
0x1a0: {  	_ =	swait.ge [sflag:s13], $0x500  }
0x1a1: {  	[sflag:s13] =	ssyncset.done $0x0  }
0x1a2: {  	s1 =	simm.s32 $0xB40;
	[sflag:s13] =	ssyncadd.s32 $0xFFFFFB00  }
0x1a3: {  	[spmem:s2] =	stream.indirect.scatter.add.f32 [tilespmem:s1], [sflag:$0x1], $0x10, s15, s15, $0xb8;
	[tilespmem:$0x1F0E0] =	vst v63  }
0x1a4: {  	s31 =	sadd.s32 $0xC8, s0;
	_ =	swait.ge [sflag:s13], $0x500  }
0x1a5: {  	p0 =	sne.s32 s0, $0x60E0;
	s30 =	smov.u32 s0;
	[sflag:s13] =	ssyncset.done $0x0  }
0x1a6: {  	s0 =	simm.s32 $0xA0;
	s1 =	simm.s32 $0x1040;
	[sflag:s13] =	ssyncadd.s32 $0xFFFFFB00  }
0x1a7: {  	[spmem:s2] =	stream.indirect.scatter.add.f32 [tilespmem:s1], [sflag:$0x1], $0x10, s0, s15, $0xb8;
	[tilespmem:$0x1F0E0] =	vst v63  }
0x1a8: {  	_ =	swait.ge [sflag:s13], $0x500  }
0x1a9: {  	[sflag:s13] =	ssyncset.done $0x0  }
0x1aa: {  	s0 =	simm.s32 $0xF0;
	s1 =	simm.s32 $0x1540;
	[sflag:s13] =	ssyncadd.s32 $0xFFFFFB00  }
0x1ab: {  	[spmem:s2] =	stream.indirect.scatter.add.f32 [tilespmem:s1], [sflag:$0x1], $0x10, s0, s15, $0xb8;
	[tilespmem:$0x1F0E0] =	vst v63  }
0x1ac: {  	_ =	swait.ge [sflag:s13], $0x500  }
0x1ad: {  	[sflag:s13] =	ssyncset.done $0x0  }
0x1ae: {  	s0 =	simm.s32 $0x140;
	s1 =	simm.s32 $0x1A40;
	[sflag:s13] =	ssyncadd.s32 $0xFFFFFB00  }
0x1af: {  	[spmem:s2] =	stream.indirect.scatter.add.f32 [tilespmem:s1], [sflag:$0x1], $0x10, s0, s15, $0xb8;
	[tilespmem:$0x1F0E0] =	vst v63  }
0x1b0: {  	_ =	swait.ge [sflag:s13], $0x500  }
0x1b1: {  	[sflag:s13] =	ssyncset.done $0x0  }
0x1b2: {  	s0 =	simm.s32 $0x190;
	s1 =	simm.s32 $0x1F40;
	[sflag:s13] =	ssyncadd.s32 $0xFFFFFB00  }
0x1b3: {  	[spmem:s2] =	stream.indirect.scatter.add.f32 [tilespmem:s1], [sflag:$0x1], $0x10, s0, s15, $0xb8;
	[tilespmem:$0x1F0E0] =	vst v63  }
0x1b4: {  	_ =	swait.ge [sflag:s13], $0x500  }
0x1b5: {  	[sflag:s13] =	ssyncset.done $0x0  }
0x1b6: {  	s0 =	simm.s32 $0x1E0;
	s1 =	simm.s32 $0x2440;
	[sflag:s13] =	ssyncadd.s32 $0xFFFFFB00  }
0x1b7: {  	[spmem:s2] =	stream.indirect.scatter.add.f32 [tilespmem:s1], [sflag:$0x1], $0x10, s0, s15, $0xb8;
	[tilespmem:$0x1F0E0] =	vst v63  }
0x1b8: {  	_ =	swait.ge [sflag:s13], $0x500  }
0x1b9: {  	[sflag:s13] =	ssyncset.done $0x0  }
0x1ba: {  	s0 =	simm.s32 $0x230;
	s1 =	simm.s32 $0x2940;
	[sflag:s13] =	ssyncadd.s32 $0xFFFFFB00  }
0x1bb: {  	[spmem:s2] =	stream.indirect.scatter.add.f32 [tilespmem:s1], [sflag:$0x1], $0x10, s0, s15, $0xb8;
	[tilespmem:$0x1F0E0] =	vst v63  }
0x1bc: {  	_ =	swait.ge [sflag:s13], $0x500  }
0x1bd: {  	[sflag:s13] =	ssyncset.done $0x0  }
0x1be: {  	s0 =	simm.s32 $0x280;
	s1 =	simm.s32 $0x2E40;
	[sflag:s13] =	ssyncadd.s32 $0xFFFFFB00  }
0x1bf: {  	[spmem:s2] =	stream.indirect.scatter.add.f32 [tilespmem:s1], [sflag:$0x1], $0x10, s0, s15, $0xb8;
	[tilespmem:$0x1F0E0] =	vst v63  }
0x1c0: {  	_ =	swait.ge [sflag:s13], $0x500  }
0x1c1: {  	[sflag:s13] =	ssyncset.done $0x0  }
0x1c2: {  	[sflag:s13] =	ssyncadd.s32 $0xFFFFFB00  }
0x1c3: {  	[spmem:s2] =	stream.indirect.scatter.add.f32 [tilespmem:s24], [sflag:$0x1], $0x10, s23, s15, $0xb8;
	[tilespmem:$0x1F0E0] =	vst v63  }
0x1c4: {  	_ =	swait.ge [sflag:s13], $0x500  }
0x1c5: {  	[sflag:s13] =	ssyncset.done $0x0  }
0x1c6: {  	[sflag:s13] =	ssyncadd.s32 $0xFFFFFB00  }
0x1c7: {  	[spmem:s2] =	stream.indirect.scatter.add.f32 [tilespmem:s26], [sflag:$0x1], $0x10, s25, s15, $0xb8;
	[tilespmem:$0x1F0E0] =	vst v63  }
0x1c8: {  	_ =	swait.ge [sflag:s13], $0x500  }
0x1c9: {  	[sflag:s13] =	ssyncset.done $0x0  }
0x1ca: {  	[sflag:s13] =	ssyncadd.s32 $0xFFFFFB00  }
0x1cb: {  	[spmem:s2] =	stream.indirect.scatter.add.f32 [tilespmem:s9], [sflag:$0x1], $0x10, s28, s15, $0xb8;
	[tilespmem:$0x1F0E0] =	vst v63  }
0x1cc: {  	_ =	swait.ge [sflag:s13], $0x500  }
0x1cd: {  	[sflag:s13] =	ssyncset.done $0x0  }
0x1ce: {  	[sflag:s13] =	ssyncadd.s32 $0xFFFFFB00  }
0x1cf: {  	[spmem:s2] =	stream.indirect.scatter.add.f32 [tilespmem:s6], [sflag:$0x1], $0x10, s14, s15, $0xb8;
	[tilespmem:$0x1F0E0] =	vst v63  }
0x1d0: {  	_ =	swait.ge [sflag:s13], $0x500  }
0x1d1: {  	[sflag:s13] =	ssyncset.done $0x0  }
0x1d2: {  	[sflag:s13] =	ssyncadd.s32 $0xFFFFFB00  }
0x1d3: {  	[spmem:s2] =	stream.indirect.scatter.add.f32 [tilespmem:s8], [sflag:$0x1], $0x10, s7, s15, $0xb8;
	[tilespmem:$0x1F0E0] =	vst v63  }
0x1d4: {  	_ =	swait.ge [sflag:s13], $0x500  }
0x1d5: {  	[sflag:s13] =	ssyncset.done $0x0  }
0x1d6: {  	[sflag:s13] =	ssyncadd.s32 $0xFFFFFB00  }
0x1d7: {  	[spmem:s2] =	stream.indirect.scatter.add.f32 [tilespmem:s10], [sflag:$0x1], $0x10, s4, s15, $0xb8;
	[tilespmem:$0x1F0E0] =	vst v63  }
0x1d8: {  	_ =	swait.ge [sflag:s13], $0x500  }
0x1d9: {  	[sflag:s13] =	ssyncset.done $0x0  }
0x1da: {  	[sflag:s13] =	ssyncadd.s32 $0xFFFFFB00  }
0x1db: {  	[spmem:s2] =	stream.indirect.scatter.add.f32 [tilespmem:s5], [sflag:$0x1], $0x10, s11, s15, $0xb8;
	[tilespmem:$0x1F0E0] =	vst v63  }
0x1dc: {  	_ =	swait.ge [sflag:s13], $0x500  }
0x1dd: {  	[sflag:s13] =	ssyncset.done $0x0  }
0x1de: {  	[sflag:s13] =	ssyncadd.s32 $0xFFFFFB00  }
0x1df: {  	[spmem:s2] =	stream.indirect.scatter.add.f32 [tilespmem:s16], [sflag:$0x1], $0x10, s12, s15, $0xb8;
	[tilespmem:$0x1F0E0] =	vst v63  }
0x1e0: {  	_ =	swait.ge [sflag:s13], $0x500  }
0x1e1: {  	[sflag:s13] =	ssyncset.done $0x0  }
0x1e2: {  	[sflag:s13] =	ssyncadd.s32 $0xFFFFFB00  }
0x1e3: {  	[spmem:s2] =	stream.indirect.scatter.add.f32 [tilespmem:s18], [sflag:$0x1], $0x10, s17, s15, $0xb8;
	[tilespmem:$0x1F0E0] =	vst v63  }
0x1e4: {  	_ =	swait.ge [sflag:s13], $0x500  }
0x1e5: {  	[sflag:s13] =	ssyncset.done $0x0  }
0x1e6: {  	[sflag:s13] =	ssyncadd.s32 $0xFFFFFB00  }
0x1e7: {  	[spmem:s2] =	stream.indirect.scatter.add.f32 [tilespmem:s20], [sflag:$0x1], $0x10, s19, s15, $0xb8;
	[tilespmem:$0x1F0E0] =	vst v63  }
0x1e8: {  	_ =	swait.ge [sflag:s13], $0x500  }
.Ltmp1:
0x1e9: {  	[sflag:s13] =	ssyncset.done $0x0;
	(pc) =	sbr.rel @p0 .LBB2_4-.Ltmp1, $4  }
0x1ea: {  	[sflag:s13] =	ssyncadd.s32 $0xFFFFFB00  }
0x1eb: {  	[spmem:s2] =	stream.indirect.scatter.add.f32 [tilespmem:s22], [sflag:$0x1], $0x10, s21, s15, $0xb8;
	[tilespmem:$0x1F0E0] =	vst v63  }
0x1ec: {  	_ =	swait.ge [sflag:s13], $0x500  }
0x1ed: {  	s29 =	sadd.s32 $0xC80, s29;
	s0 =	smov.u32 s31;
	[sflag:s13] =	ssyncset.done $0x0  }
0x1ee: {  	s0 =	rddreg [dreg:$0x4]  }
0x1ef: {  	[sflag:s13] =	ssyncadd.s32 $0xFFFFFB00;
	s0 =	sadd.s32 s30, s0  }
0x1f0: {  	[tilespmem:s3], [sflag:$0x1] =	stream.linear.gather [hbm4b:s0+s3], $0x640, $0x38;
	[tilespmem:$0x1F0E0] =	vst v63  }
0x1f1: {  	_ =	swait.ge [sflag:s13], $0x640  }
0x1f2: {  	[sflag:s13] =	ssyncset.done $0x0  }
0x1f3: {  	s31 =	simm.s32 $0x640;
	[sflag:s13] =	ssyncadd.s32 $0xFFFFF9C0  }
0x1f4: {  	[tilespmem:s31], [sflag:$0x1] =	stream.linear.gather [hbm4b:s29+s3], $0x6400, $0x38;
	[tilespmem:$0x1F0E0] =	vst v63  }
0x1f5: {  	_ =	swait.ge [sflag:s13], $0x6400  }
0x1f6: {  	[sflag:s13] =	ssyncset.done $0x0  }
0x1f7: {  	[sflag:s13] =	ssyncadd.s32 $0xFFFF9C00  }
0x1f8: {  	[spmem:s2] =	stream.indirect.scatter.add.f32 [tilespmem:s31], [sflag:$0x1], $0x10, s3, s15, $0xb8;
	[tilespmem:$0x1F0E0] =	vst v63  }
0x1f9: {  	_ =	swait.ge [sflag:s13], $0x500  }
0x1fa: {  	[sflag:s13] =	ssyncset.done $0x0  }
0x1fb: {  	s1 =	simm.s32 $0xB40;
	[sflag:s13] =	ssyncadd.s32 $0xFFFFFB00  }
0x1fc: {  	[spmem:s2] =	stream.indirect.scatter.add.f32 [tilespmem:s1], [sflag:$0x1], $0x10, s15, s15, $0xb8;
	[tilespmem:$0x1F0E0] =	vst v63  }
0x1fd: {  	_ =	swait.ge [sflag:s13], $0x500  }
0x1fe: {  	[sflag:s13] =	ssyncset.done $0x0  }
0x1ff: {  	s31 =	simm.s32 $0xA0;
	s1 =	simm.s32 $0x1040;
	[sflag:s13] =	ssyncadd.s32 $0xFFFFFB00  }
0x200: {  	[spmem:s2] =	stream.indirect.scatter.add.f32 [tilespmem:s1], [sflag:$0x1], $0x10, s31, s15, $0xb8;
	[tilespmem:$0x1F0E0] =	vst v63  }
0x201: {  	_ =	swait.ge [sflag:s13], $0x500  }
0x202: {  	[sflag:s13] =	ssyncset.done $0x0  }
0x203: {  	s1 =	simm.s32 $0xF0;
	s31 =	simm.s32 $0x1540;
	[sflag:s13] =	ssyncadd.s32 $0xFFFFFB00  }
0x204: {  	[spmem:s2] =	stream.indirect.scatter.add.f32 [tilespmem:s31], [sflag:$0x1], $0x10, s1, s15, $0xb8;
	[tilespmem:$0x1F0E0] =	vst v63  }
0x205: {  	_ =	swait.ge [sflag:s13], $0x500  }
0x206: {  	[sflag:s13] =	ssyncset.done $0x0  }
0x207: {  	s1 =	simm.s32 $0x140;
	s31 =	simm.s32 $0x1A40;
	[sflag:s13] =	ssyncadd.s32 $0xFFFFFB00  }
0x208: {  	[spmem:s2] =	stream.indirect.scatter.add.f32 [tilespmem:s31], [sflag:$0x1], $0x10, s1, s15, $0xb8;
	[tilespmem:$0x1F0E0] =	vst v63  }
0x209: {  	_ =	swait.ge [sflag:s13], $0x500  }
0x20a: {  	[sflag:s13] =	ssyncset.done $0x0  }
0x20b: {  	s1 =	simm.s32 $0x190;
	s31 =	simm.s32 $0x1F40;
	[sflag:s13] =	ssyncadd.s32 $0xFFFFFB00  }
0x20c: {  	[spmem:s2] =	stream.indirect.scatter.add.f32 [tilespmem:s31], [sflag:$0x1], $0x10, s1, s15, $0xb8;
	[tilespmem:$0x1F0E0] =	vst v63  }
0x20d: {  	_ =	swait.ge [sflag:s13], $0x500  }
0x20e: {  	[sflag:s13] =	ssyncset.done $0x0  }
0x20f: {  	s1 =	simm.s32 $0x1E0;
	s31 =	simm.s32 $0x2440;
	[sflag:s13] =	ssyncadd.s32 $0xFFFFFB00  }
0x210: {  	[spmem:s2] =	stream.indirect.scatter.add.f32 [tilespmem:s31], [sflag:$0x1], $0x10, s1, s15, $0xb8;
	[tilespmem:$0x1F0E0] =	vst v63  }
0x211: {  	_ =	swait.ge [sflag:s13], $0x500  }
0x212: {  	[sflag:s13] =	ssyncset.done $0x0  }
0x213: {  	s1 =	simm.s32 $0x230;
	s31 =	simm.s32 $0x2940;
	[sflag:s13] =	ssyncadd.s32 $0xFFFFFB00  }
0x214: {  	[spmem:s2] =	stream.indirect.scatter.add.f32 [tilespmem:s31], [sflag:$0x1], $0x10, s1, s15, $0xb8;
	[tilespmem:$0x1F0E0] =	vst v63  }
0x215: {  	_ =	swait.ge [sflag:s13], $0x500  }
0x216: {  	[sflag:s13] =	ssyncset.done $0x0  }
0x217: {  	s1 =	simm.s32 $0x280;
	s31 =	simm.s32 $0x2E40;
	[sflag:s13] =	ssyncadd.s32 $0xFFFFFB00  }
0x218: {  	[spmem:s2] =	stream.indirect.scatter.add.f32 [tilespmem:s31], [sflag:$0x1], $0x10, s1, s15, $0xb8;
	[tilespmem:$0x1F0E0] =	vst v63  }
0x219: {  	_ =	swait.ge [sflag:s13], $0x500  }
0x21a: {  	[sflag:s13] =	ssyncset.done $0x0  }
0x21b: {  	[sflag:s13] =	ssyncadd.s32 $0xFFFFFB00  }
0x21c: {  	[spmem:s2] =	stream.indirect.scatter.add.f32 [tilespmem:s24], [sflag:$0x1], $0x10, s23, s15, $0xb8;
	[tilespmem:$0x1F0E0] =	vst v63  }
0x21d: {  	_ =	swait.ge [sflag:s13], $0x500  }
0x21e: {  	[sflag:s13] =	ssyncset.done $0x0  }
0x21f: {  	[sflag:s13] =	ssyncadd.s32 $0xFFFFFB00  }
0x220: {  	[spmem:s2] =	stream.indirect.scatter.add.f32 [tilespmem:s26], [sflag:$0x1], $0x10, s25, s15, $0xb8;
	[tilespmem:$0x1F0E0] =	vst v63  }
0x221: {  	_ =	swait.ge [sflag:s13], $0x500  }
0x222: {  	[sflag:s13] =	ssyncset.done $0x0  }
0x223: {  	[sflag:s13] =	ssyncadd.s32 $0xFFFFFB00  }
0x224: {  	[spmem:s2] =	stream.indirect.scatter.add.f32 [tilespmem:s9], [sflag:$0x1], $0x10, s28, s15, $0xb8;
	[tilespmem:$0x1F0E0] =	vst v63  }
0x225: {  	_ =	swait.ge [sflag:s13], $0x500  }
0x226: {  	[sflag:s13] =	ssyncset.done $0x0  }
0x227: {  	[sflag:s13] =	ssyncadd.s32 $0xFFFFFB00  }
0x228: {  	[spmem:s2] =	stream.indirect.scatter.add.f32 [tilespmem:s6], [sflag:$0x1], $0x10, s14, s15, $0xb8;
	[tilespmem:$0x1F0E0] =	vst v63  }
0x229: {  	_ =	swait.ge [sflag:s13], $0x500  }
0x22a: {  	[sflag:s13] =	ssyncset.done $0x0  }
0x22b: {  	[sflag:s13] =	ssyncadd.s32 $0xFFFFFB00  }
0x22c: {  	[spmem:s2] =	stream.indirect.scatter.add.f32 [tilespmem:s8], [sflag:$0x1], $0x10, s7, s15, $0xb8;
	[tilespmem:$0x1F0E0] =	vst v63  }
0x22d: {  	_ =	swait.ge [sflag:s13], $0x500  }
0x22e: {  	[sflag:s13] =	ssyncset.done $0x0  }
0x22f: {  	[sflag:s13] =	ssyncadd.s32 $0xFFFFFB00  }
0x230: {  	[spmem:s2] =	stream.indirect.scatter.add.f32 [tilespmem:s10], [sflag:$0x1], $0x10, s4, s15, $0xb8;
	[tilespmem:$0x1F0E0] =	vst v63  }
0x231: {  	_ =	swait.ge [sflag:s13], $0x500  }
0x232: {  	[sflag:s13] =	ssyncset.done $0x0  }
0x233: {  	[sflag:s13] =	ssyncadd.s32 $0xFFFFFB00  }
0x234: {  	[spmem:s2] =	stream.indirect.scatter.add.f32 [tilespmem:s5], [sflag:$0x1], $0x10, s11, s15, $0xb8;
	[tilespmem:$0x1F0E0] =	vst v63  }
0x235: {  	_ =	swait.ge [sflag:s13], $0x500  }
0x236: {  	[sflag:s13] =	ssyncset.done $0x0  }
0x237: {  	[sflag:s13] =	ssyncadd.s32 $0xFFFFFB00  }
0x238: {  	[spmem:s2] =	stream.indirect.scatter.add.f32 [tilespmem:s16], [sflag:$0x1], $0x10, s12, s15, $0xb8;
	[tilespmem:$0x1F0E0] =	vst v63  }
0x239: {  	_ =	swait.ge [sflag:s13], $0x500  }
0x23a: {  	[sflag:s13] =	ssyncset.done $0x0  }
0x23b: {  	[sflag:s13] =	ssyncadd.s32 $0xFFFFFB00  }
0x23c: {  	[spmem:s2] =	stream.indirect.scatter.add.f32 [tilespmem:s18], [sflag:$0x1], $0x10, s17, s15, $0xb8;
	[tilespmem:$0x1F0E0] =	vst v63  }
0x23d: {  	_ =	swait.ge [sflag:s13], $0x500  }
0x23e: {  	[sflag:s13] =	ssyncset.done $0x0  }
0x23f: {  	[sflag:s13] =	ssyncadd.s32 $0xFFFFFB00  }
0x240: {  	[spmem:s2] =	stream.indirect.scatter.add.f32 [tilespmem:s20], [sflag:$0x1], $0x10, s19, s15, $0xb8;
	[tilespmem:$0x1F0E0] =	vst v63  }
0x241: {  	_ =	swait.ge [sflag:s13], $0x500  }
0x242: {  	[sflag:s13] =	ssyncset.done $0x0  }
0x243: {  	[sflag:s13] =	ssyncadd.s32 $0xFFFFFB00  }
0x244: {  	[spmem:s2] =	stream.indirect.scatter.add.f32 [tilespmem:s22], [sflag:$0x1], $0x10, s21, s15, $0xb8;
	[tilespmem:$0x1F0E0] =	vst v63  }
0x245: {  	_ =	swait.ge [sflag:s13], $0x500  }
0x246: {  	[sflag:s13] =	ssyncset.done $0x0  }
0x247: {  	[sflag:s13] =	ssyncadd.s32 $0xFFFFFB00  }
0x248: {  	[bflag:$0x0] =	sbarrier.arrive $0xFFFF  }
0x249: {  	s29 =	rddreg [dreg:$0x6]  }
0x24a: {  	s31 =	rddreg [dreg:$0x8]  }
0x24b: {  	s1 =	rddreg [dreg:$0xc]  }
0x24c: {  	[hbm:s31], [sflag:s29] =	dma.local [spmem:s1], $0x30D4  }
0x24d: {  	_ =	swait.ge [sflag:s13], $0x30D4  }
0x24e: {  	s30 =	rddreg [dreg:$0xd]  }
0x24f: {  	s31 =	rddreg [dreg:$0x9];
	s30 =	sadd.s32 $0x1, s30  }
0x250: {  	p0 =	sne.s32 s30, s31  }
.Ltmp2:
0x251: {  	_ = 	snop;
	(pc) =	sbr.rel @p0 .LBB2_1-.Ltmp2, $3  }
0x252: {  	[sflag:s13] =	ssyncset.done $0x0  }
0x253: {  	[sflag:s13] =	ssyncadd.s32 $0xFFFFCF2C  }
0x254: {  	[bflag:$0x0] =	sbarrier.arrive $0xFFFF;
	_ =	sdelay $0x1  }
0x255: {  	_ =	sfence.sel $0x180000  }
0x256: {  	[bflag:$0x0] =	sbarrier.arrive $0xFFFF  }
0x257: {  	_ =	strace $0x9000004A  }
0x258: {  	s0 =	stileid.u32;
	[bflag:$0x2] =	sbarrier.arrive $0xFFFF  }
0x259: {  	p0 =	sne.s32 s0, $0x0;
	s0 =	rddreg [dreg:$0x3]  }
0x25a: {  	s0 =	sadd.s32 @!p0 $0x100000, s0  }
0x25b: {  	[sflag:s0] =	ssyncadd.tile.s32 @!p0 $0x1;
	_ =	shalt  }
.Lfunc_end2:
_tile_overlayer_lowered:
.L_overlay_start_2:
0x25c: {  	(tag) =	ssettag $0x2  }
0x25d: {  	s0 =	rddreg [dreg:$0x0];
	s2 =	stileid.u32  }
0x25e: {  	s1 =	rddreg [dreg:$0x1];
	p0 =	sne.s32 s2, $0x0  }
0x25f: {  	s3 =	rddreg [dreg:$0x2];
	[bflag:$0x3] =	sbarrier.arrive $0xFFFF;
	s2 =	simm.s32 @!p0 $0x1C01  }
0x260: {  	[timem:s3], [sflag:s2] =	dma.local @!p0 [hbm:s0], s1  }
0x261: {  	s0 =	simm.s32 @!p0 $0x1  }
0x262: {  	_ =	swait.ge @!p0 [sflag:s0], s1  }
0x263: {  	s1 =	ssub.s32 @!p0 $0x0, s1;
	[sflag:s0] =	ssyncset.done @!p0 $0x0  }
0x264: {  	[sflag:s0] =	ssyncadd.s32 @!p0 s1  }
0x265: {  	[bflag:$0x3] =	sbarrier.arrive $0xFFFF  }
0x266: {  	_ =	shalt  }

// kernel: kernel.7.cloned.1.call-start
scs
__scs_entry_jumppad:
0x0: {  	(pc) =	sbr.rel $0x88, $3  }
0x1: {  	(tag) =	ssettag $0x0;
	lr =	simm.s32 $0x1  }
0x2: {  	[smem:$0x3F94] =	sst lr;
	_ =	strace $0xD0000000  }
0x3: {  	_ = 	snop  }
0x4: {  	_ = 	snop  }
0x5: {  	_ = 	snop  }
0x6: {  	_ = 	snop  }
0x7: {  	_ = 	snop  }
__scs_overlays_trampoline_lowered:
0x8: {  	[smem:$0x3FA3] =	sst s0  }
0x9: {  	[smem:$0x3FA4] =	sst s1  }
0xa: {  	[smem:$0x3FA5] =	sst s2  }
0xb: {  	[smem:$0x3FA6] =	sst s3  }
0xc: {  	[smem:$0x3FA7] =	sst s4  }
0xd: {  	[smem:$0x3FA8] =	sst s5  }
0xe: {  	[smem:$0x3FA9] =	sst s6  }
0xf: {  	[smem:$0x3FAA] =	sst s7  }
0x10: {  	[smem:$0x3FAB] =	sst s8  }
0x11: {  	[smem:$0x3FAC] =	sst s9;
	s0 =	simm.s32 @!p0 $0x0  }
0x12: {  	s1 =	sld [smem:$0x3F92];
	s0 =	simm.s32 @p0 $0x1  }
0x13: {  	[smem:$0x3FAD] =	sst s0;
	s0 =	simm.s32 @!p1 $0x0  }
0x14: {  	s2 =	sld [smem:$0x3F91];
	s0 =	simm.s32 @p1 $0x1  }
0x15: {  	[smem:$0x3FAE] =	sst s0;
	s0 =	simm.s32 @!p2 $0x0  }
0x16: {  	s3 =	sld [smem:$0x3FDB];
	s0 =	simm.s32 @p2 $0x1  }
0x17: {  	s4 =	simm.s32 $0x1BF5;
	[smem:$0x3FB0] =	sst s0  }
0x18: {  	s0 =	sld [smem:$0x3F93];
	_ =	swait.ge [sflag:s4], $0x0  }
0x19: {  	s7 =	sld [smem:$0x3F94]  }
0x1a: {  	s8 =	sadd.s32 $0xFFFFE003, lr  }
0x1b: {  	s9 =	sadd.s32 $0xFFFFFEF7, lr;
	s5 =	simm.s32 $0xFFFFFFFF;
	p2 =	slt.u32 s8, $0xFFFFF086  }
0x1c: {  	p1 =	slt.u32 s9, $0xF7A;
	s5 =	simm.s32 @!p2 $0x0  }
0x1d: {  	s5 =	simm.s32 @p1 $0x1;
	p0 =	seq.s32 s7, s2  }
0x1e: {  	s7 =	smul.u32 @!p0 $0xF7A, s2;
	p2 =	seq.s32 @!p0 s5, $0x0  }
0x1f: {  	s9 =	smul.u32 $0xF7A, s1;
	s8 =	simm.s32 @!p0 $0x1BF5;
	p2 =	por !p2, p0  }
0x20: {  	[sflag:s8] =	ssyncset.s32 @!p0 $0xFFFFF086;
	s6 =	sadd.s32 @!p0 s3, s7;
	s7 =	simm.s32 @!p0 $0x108  }
0x21: {  	s3 =	sadd.s32 s3, s9;
	s6 =	sadd.s32 @!p0 $0x88, s6;
	s7 =	simm.s32 @p2 $0x1082  }
0x22: {  	[simem:s7], [sflag:s8] =	dma.local @!p0 [hbm:s6], $0xF7A  }
0x23: {  	s9 =	sor.u32 $0xD0000000, s2;
	s6 =	simm.s32 $0x108;
	_ =	swait.ge @!p0 [sflag:s8], $0x0  }
0x24: {  	s3 =	sadd.s32 $0x88, s3;
	s6 =	simm.s32 @!p1 $0x1082;
	[sflag:s4] =	ssyncset.s32 $0xFFFFF086  }
0x25: {  	[simem:s6], [sflag:s4] =	dma.local [hbm:s3], $0xF7A  }
0x26: {  	[smem:$0x3F94] =	sst s1;
	(tag) =	ssettag s2;
	_ =	strace s9  }
0x27: {  	s1 =	sld [smem:$0x3FA4]  }
0x28: {  	s2 =	sld [smem:$0x3FA5]  }
0x29: {  	s4 =	sld [smem:$0x3FA7]  }
0x2a: {  	p0 =	seq.s32 s5, $0x0;
	s5 =	sld [smem:$0x3FA8]  }
0x2b: {  	s6 =	sld [smem:$0x3FA9]  }
0x2c: {  	s7 =	sld [smem:$0x3FAA]  }
0x2d: {  	s3 =	simm.s32 $0x108;
	s8 =	sld [smem:$0x3FAB]  }
0x2e: {  	s3 =	simm.s32 @!p0 $0x1082;
	s9 =	sld [smem:$0x3FAC]  }
0x2f: {  	lr =	sadd.s32 s0, s3;
	s0 =	sld [smem:$0x3FA3]  }
0x30: {  	s3 =	sld [smem:$0x3FA6]  }
0x31: {  	[smem:$0x3FAF] =	sst s10  }
0x32: {  	s10 =	sld [smem:$0x3FAD];
	_ =	sdelay $0x3  }
0x33: {  	p0 =	seq.s32 s10, $0x1;
	s10 =	sld [smem:$0x3FAF];
	_ =	sdelay $0x3  }
0x34: {  	[smem:$0x3FAF] =	sst s10  }
0x35: {  	s10 =	sld [smem:$0x3FAE];
	_ =	sdelay $0x3  }
0x36: {  	p1 =	seq.s32 s10, $0x1;
	s10 =	sld [smem:$0x3FAF];
	_ =	sdelay $0x3  }
0x37: {  	[smem:$0x3FAF] =	sst s10  }
0x38: {  	s10 =	sld [smem:$0x3FB0]  }
0x39: {  	_ = 	snop;
	(pc) =	sbr.ind lr, $3  }
0x3a: {  	_ = 	snop  }
0x3b: {  	_ = 	snop  }
0x3c: {  	p2 =	seq.s32 s10, $0x1;
	s10 =	sld [smem:$0x3FAF]  }
0x3d: {  	_ =	shalt  }
0x3e: {  	_ =	shalt  }
0x3f: {  	_ =	shalt  }
0x40: {  	_ =	shalt  }
0x41: {  	_ =	shalt  }
0x42: {  	_ =	shalt  }
0x43: {  	_ =	shalt  }
0x44: {  	_ =	shalt  }
0x45: {  	_ =	shalt  }
0x46: {  	_ =	shalt  }
0x47: {  	_ =	shalt  }
0x48: {  	_ =	shalt  }
0x49: {  	_ =	shalt  }
0x4a: {  	_ =	shalt  }
0x4b: {  	_ =	shalt  }
0x4c: {  	_ =	shalt  }
0x4d: {  	_ =	shalt  }
0x4e: {  	_ =	shalt  }
0x4f: {  	_ =	shalt  }
0x50: {  	_ =	shalt  }
0x51: {  	_ =	shalt  }
0x52: {  	_ =	shalt  }
0x53: {  	_ =	shalt  }
0x54: {  	_ =	shalt  }
0x55: {  	_ =	shalt  }
0x56: {  	_ =	shalt  }
0x57: {  	_ =	shalt  }
0x58: {  	_ =	shalt  }
0x59: {  	_ =	shalt  }
0x5a: {  	_ =	shalt  }
0x5b: {  	_ =	shalt  }
0x5c: {  	_ =	shalt  }
0x5d: {  	_ =	shalt  }
0x5e: {  	_ =	shalt  }
0x5f: {  	_ =	shalt  }
0x60: {  	_ =	shalt  }
0x61: {  	_ =	shalt  }
0x62: {  	_ =	shalt  }
0x63: {  	_ =	shalt  }
0x64: {  	_ =	shalt  }
0x65: {  	_ =	shalt  }
0x66: {  	_ =	shalt  }
0x67: {  	_ =	shalt  }
0x68: {  	_ =	shalt  }
0x69: {  	_ =	shalt  }
0x6a: {  	_ =	shalt  }
0x6b: {  	_ =	shalt  }
0x6c: {  	_ =	shalt  }
0x6d: {  	_ =	shalt  }
0x6e: {  	_ =	shalt  }
0x6f: {  	_ =	shalt  }
0x70: {  	_ =	shalt  }
0x71: {  	_ =	shalt  }
0x72: {  	_ =	shalt  }
0x73: {  	_ =	shalt  }
0x74: {  	_ =	shalt  }
0x75: {  	_ =	shalt  }
0x76: {  	_ =	shalt  }
0x77: {  	_ =	shalt  }
0x78: {  	_ =	shalt  }
0x79: {  	_ =	shalt  }
0x7a: {  	_ =	shalt  }
0x7b: {  	_ =	shalt  }
0x7c: {  	_ =	shalt  }
0x7d: {  	_ =	shalt  }
0x7e: {  	_ =	shalt  }
0x7f: {  	_ =	shalt  }
0x80: {  	_ =	shalt  }
0x81: {  	_ =	shalt  }
0x82: {  	_ =	shalt  }
0x83: {  	_ =	shalt  }
0x84: {  	_ =	shalt  }
0x85: {  	_ =	shalt  }
0x86: {  	_ =	shalt  }
0x87: {  	_ =	shalt  }
.Lfunc_end0:
.L_simem_size_0:
called_computation_lowered:
.L_overlay_start_0:
0x88: {  	s2 =	sld [smem:$0x3FD9]  }
0x89: {  	s3 =	sld [smem:$0x3FFE];
	_ =	sdelay $0x1  }
0x8a: {  	s1 =	srdreg.scid  }
0x8b: {  	s0 =	sand.u32 $0x1, s1  }
0x8c: {  	s16 =	sshll.u32 s0, $0xA;
	s2 =	sadd.s32 s3, s2  }
0x8d: {  	s2 =	sadd.s32 s2, s16  }
0x8e: {  	[smem:$0x3FBB] =	sst s2  }
0x8f: {  	_ = 	snop  }
0x90: {  	(tm) =	ssettm $0x1  }
0x91: {  	s17 =	sld [smem:$0x3FFB];
	_ =	sdelay $0x3  }
0x92: {  	_ =	strace s17  }
0x93: {  	s2 =	sld [smem:$0x3FFC];
	_ =	sdelay $0x3  }
0x94: {  	_ =	strace s2  }
0x95: {  	s2 =	sld [smem:$0x3FFD];
	_ =	sdelay $0x3  }
0x96: {  	_ =	strace s2  }
0x97: {  	_ =	strace $0x8FFFFFFF  }
0x98: {  	s18 =	sld [smem:$0x3FDB];
	_ =	sdelay $0x1  }
0x99: {  	s19 =	simm.s32 $_scs_section_size  }
0x9a: {  	s4 =	simm.s32 $_size__tile_overlayer_lowered;
	s5 =	simm.s32 $_tile_overlayer_lowered  }
0x9b: {  	s22 =	simm.s32 $0x1BFF;
	s21 =	sshll.u32 s5, $0x1;
	s2 =	sadd.s32 s19, s18  }
0x9c: {  	s6 =	simm.s32 $0x0;
	s20 =	sshll.u32 s4, $0x1;
	s4 =	sadd.s32 s21, s2  }
0x9d: {  	[timem:s6], [sflag:s22] =	dma.local [hbm:s4], s20  }
0x9e: {  	_ =	swait.ge [sflag:s22], s20  }
0x9f: {  	s3 =	ssub.s32 $0x0, s20;
	[sflag:s22] =	ssyncset.done $0x0  }
0xa0: {  	[sflag:s22] =	ssyncadd.s32 s3;
	_ =	sdelay $0x1  }
0xa1: {  	s23 =	simm.s32 $0x1B8B  }
0xa2: {  	_ =	swait.ge [sflag:s23], $0x1  }
0xa3: {  	[sflag:s23] =	ssyncset.done $0x0  }
0xa4: {  	s25 =	simm.s32 $0x1B8E;
	s24 =	sld [smem:$0x3FFE];
	[sflag:s23] =	ssyncadd.s32 $0xFFFFFFFF  }
0xa5: {  	s26 =	simm.s32 $execute0_lowered;
	[smem:$0x3FD2] =	sst s25  }
0xa6: {  	s4 =	sshll.u32 s26, $0x1;
	_ =	strace $0x80000046;
	[dreg:$0x1] =	wrdreg $0xFFFFFFFF  }
0xa7: {  	s28 =	simm.s32 $_size_execute0_lowered;
	s2 =	sadd.s32 s2, s4;
	[dreg:$0x0] =	wrdreg $0x0  }
0xa8: {  	s4 =	sshll.u32 s28, $0x1;
	[dreg:$0x2] =	wrdreg s2  }
0xa9: {  	[dreg:$0x3] =	wrdreg s4  }
0xaa: {  	[dreg:$0x4] =	wrdreg $0xC0  }
0xab: {  	_ =	task [dreg:s6], $0x5FFFF  }
0xac: {  	[dreg:$0x1] =	wrdreg $0xFFFFFFFF  }
0xad: {  	[dreg:$0x0] =	wrdreg $0x60  }
0xae: {  	[dreg:$0x2] =	wrdreg s24  }
0xaf: {  	[dreg:$0x3] =	wrdreg $0x9  }
0xb0: {  	_ =	task.clear_ibuf [dreg:s6], $0x4FFFF;
	_ =	strace $0x90000046  }
0xb1: {  	s29 =	simm.s32 $0x9;
	_ =	strace $0x80000048  }
0xb2: {  	_ =	swait.ge [sflag:s29], $0x1  }
0xb3: {  	[sflag:s29] =	ssyncadd.s32 $0xFFFFFFFF  }
0xb4: {  	_ =	strace $0x90000048  }
0xb5: {  	_ =	sfence  }
0xb6: {  	s30 =	sld [smem:$0x0];
	_ =	sdelay $0x2  }
0xb7: {  	s31 =	sshll.u32 s1, $0xD;
	s1 =	sshrl.u32 s1, $0x2  }
0xb8: {  	s3 =	sand.u32 $0x4000, s31;
	s1 =	sadd.s32 s1, s30  }
0xb9: {  	s0 =	sor.u32 s3, s0;
	s1 =	sshll.u32 s1, $0x11  }
0xba: {  	s0 =	sor.u32 s1, s0  }
0xbb: {  	s0 =	sadd.s32 $0x8F2B, s0  }
0xbc: {  	[sflag:s0] =	ssyncadd.remote.s32 $0x1  }
0xbd: {  	_ =	sfence.sel $0xFFFF  }
0xbe: {  	[dreg:$0x0] =	wrdreg $0xFFFFFFFF;
	(pc) =	sbr.abs _section_cstart, $3  }
0xbf: {  	[dreg:$0x1] =	wrdreg $0xFFFFFFFF  }
0xc0: {  	_ =	task.clear_ibuf [dreg:s6], $0x2FFFF;
	_ =	strace $0x9FFFFFFF  }
0xc1: {  	(tm) =	ssettm $0x7FFFFFFF  }
tec
execute0_lowered:
.L_overlay_start_1:
0x0: {  	(tag) =	ssettag $0x1  }
0x1: {  	s5 =	rddreg [dreg:$0x0]  }
0x2: {  	s0 =	rddreg [dreg:$0x1]  }
0x3: {  	s2 =	simm.s32 $0x0;
	s3 =	srdreg.scid;
	s1 =	stileid.u32  }
0x4: {  	s10 =	simm.s32 $0x1;
	s11 =	simm.s32 $0x7D0;
	s12 =	simm.s32 $0x0  }
0x5: {  	[smem:$0x7FF] =	sst s2;
	s6 =	sand.u32 $0x1, s3;
	s3 =	sadd.s32 $0x63800, s5  }
0x6: {  	s8 =	sshll.u32 s1, $0x1;
	s4 =	sadd.s32 $0x1C00, s5;
	s7 =	ssub.s32 $0x2, s6  }
0x7: {  	s5 =	sadd.s32 $0x94600, s5;
	_ =	strace $0x80000047;
	s9 =	sshrl.u32 s7, $0x1  }
0x8: {  	s6 =	sor.u32 s6, s8;
	s8 =	simm.s32 $0x2;
	s7 =	ssub.s32 s7, s9  }
0x9: {  	s6 =	smul.u32 $0x186A0, s6;
	s9 =	simm.s32 $0x50;
	s7 =	smax.u32 s7, $0x1  }
.LBB2_1:
0xa: {  	s13 =	simm.s32 $0x0  }
.LBB2_2:
0xb: {  	s14 =	smul.u32 $0x7D0, s13;
	_ =	sdelay $0x1  }
0xc: {  	s14 =	sadd.s32 s6, s14  }
0xd: {  	s15 =	sshrl.u32 s14, $0x3  }
0xe: {  	s16 =	simm.s32 $0x0;
	s15 =	sadd.s32 s4, s15  }
0xf: {  	[tilespmem:s16], [sflag:$0x2] =	stream.linear.gather [hbm4b:s15+s16], $0x7D0, $0x38;
	[tilespmem:$0x84D0] =	vst v63  }
0x10: {  	_ =	swait.ge [sflag:s8], $0x7D0  }
0x11: {  	[sflag:s8] =	ssyncset.done $0x0  }
0x12: {  	s31 =	simm.s32 $0x0;
	s15 =	simm.s32 $0x7D0;
	[sflag:s8] =	ssyncadd.s32 $0xFFFFF830  }
0x13: {  	[tilespmem:s15], [sflag:$0x1] =	stream.indirect.gather [hbm4b:s3+s9], $0x10, s31, s9, $0xb8;
	[tilespmem:$0x84D0] =	vst v63  }
0x14: {  	_ =	swait.ge [sflag:s10], $0x500  }
0x15: {  	s16 =	simm.s32 $0x140;
	[sflag:s10] =	ssyncset.done $0x0  }
.LBB2_3:
0x16: {  	s17 =	sshra.s32 s16, $0x2  }
0x17: {  	[sflag:s10] =	ssyncadd.s32 $0xFFFFFB00;
	s15 =	sadd.s32 $0x500, s15;
	p0 =	sne.s32 s16, $0x1E00  }
0x18: {  	[tilespmem:s15], [sflag:$0x1] =	stream.indirect.gather [hbm4b:s3+s9], $0x10, s17, s9, $0xb8;
	[tilespmem:$0x84D0] =	vst v63  }
.Ltmp0:
0x19: {  	_ = 	snop;
	(pc) =	sbr.rel @p0 .LBB2_3-.Ltmp0, $4  }
0x1a: {  	_ = 	snop  }
0x1b: {  	s16 =	sadd.s32 $0x140, s16  }
0x1c: {  	_ =	swait.ge [sflag:s10], $0x500  }
0x1d: {  	[sflag:s10] =	ssyncset.done $0x0  }
0x1e: {  	s13 =	sadd.s32 $0x1, s13  }
0x1f: {  	s14 =	sshll.u32 s14, $0x1;
	p0 =	sne.s32 s13, $0x32  }
.Ltmp1:
0x20: {  	[sflag:s10] =	ssyncadd.s32 $0xFFFFFB00;
	s14 =	sadd.s32 s5, s14;
	(pc) =	sbr.rel @p0 .LBB2_2-.Ltmp1, $4  }
0x21: {  	[hbm4b:s14+s2] =	stream.linear.scatter [tilespmem:s11], [sflag:$0x2], $0x7D00, $0x38;
	[tilespmem:$0x84D0] =	vst v63  }
0x22: {  	_ =	swait.ge [sflag:s8], $0x7D00  }
0x23: {  	[sflag:s8] =	ssyncset.done $0x0  }
0x24: {  	[sflag:s8] =	ssyncadd.s32 $0xFFFF8300  }
0x25: {  	s12 =	sadd.s32 $0x1, s12  }
0x26: {  	p0 =	sne.s32 s12, s7  }
.Ltmp2:
0x27: {  	_ = 	snop;
	(pc) =	sbr.rel @p0 .LBB2_1-.Ltmp2, $1  }
0x28: {  	_ =	sdelay $0x3  }
0x29: {  	_ =	sfence.sel $0x180000  }
0x2a: {  	[bflag:$0x0] =	sbarrier.arrive $0xFFFF  }
0x2b: {  	p0 =	sne.s32 s1, $0x0;
	_ =	strace $0x90000047  }
0x2c: {  	s0 =	sadd.s32 @!p0 $0x100000, s0;
	[bflag:$0x2] =	sbarrier.arrive $0xFFFF  }
0x2d: {  	[sflag:s0] =	ssyncadd.tile.s32 @!p0 $0x1;
	_ =	shalt  }
.Lfunc_end2:
_tile_overlayer_lowered:
.L_overlay_start_2:
0x2e: {  	(tag) =	ssettag $0x2  }
0x2f: {  	s0 =	rddreg [dreg:$0x0];
	s2 =	stileid.u32  }
0x30: {  	s1 =	rddreg [dreg:$0x1];
	p0 =	sne.s32 s2, $0x0  }
0x31: {  	s3 =	rddreg [dreg:$0x2];
	[bflag:$0x3] =	sbarrier.arrive $0xFFFF;
	s2 =	simm.s32 @!p0 $0x1C02  }
0x32: {  	[timem:s3], [sflag:s2] =	dma.local @!p0 [hbm:s0], s1  }
0x33: {  	s0 =	simm.s32 @!p0 $0x2  }
0x34: {  	_ =	swait.ge @!p0 [sflag:s0], s1  }
0x35: {  	s1 =	ssub.s32 @!p0 $0x0, s1;
	[sflag:s0] =	ssyncset.done @!p0 $0x0  }
0x36: {  	[sflag:s0] =	ssyncadd.s32 @!p0 s1  }
0x37: {  	[bflag:$0x3] =	sbarrier.arrive $0xFFFF  }
0x38: {  	_ =	shalt  }

</sc_bundles>
